<compile_context>
chip_gen: v7x
topology: tpu7x:2x2x1
jax: 0.10.2.dev20260603
libtpu: 0.0.44.dev20260713+nightly
codegen_flags: <defaults>
</compile_context>

<pallas_src>
import functools

import jax
import jax.numpy as jnp
from jax import lax
from jax.experimental import pallas as pl
from jax.experimental.pallas import tpu as pltpu
from jax.experimental.pallas import tpu_sc as plsc

_NC = 2
_NS = 16
_NW = _NC * _NS
_L = 16


@functools.lru_cache(maxsize=None)
def _build(B, D):
    b_per_w = B // _NW
    n_groups = b_per_w // _L
    mesh = plsc.VectorSubcoreMesh(core_axis_name="c", subcore_axis_name="s")

    def body(ue_hbm, ie_hbm, ub_hbm, ib_hbm, uidx_hbm, iidx_hbm, out_hbm,
             uidx_v, iidx_v, urows_v, irows_v, ub_v, ib_v, out_v, sem):
        wid = lax.axis_index("s") * _NC + lax.axis_index("c")
        base = wid * b_per_w

        pltpu.sync_copy(uidx_hbm.at[pl.ds(base, b_per_w)], uidx_v)
        pltpu.sync_copy(iidx_hbm.at[pl.ds(base, b_per_w)], iidx_v)

        cps = [
            pltpu.async_copy(ue_hbm.at[uidx_v], urows_v, sem),
            pltpu.async_copy(ie_hbm.at[iidx_v], irows_v, sem),
            pltpu.async_copy(ub_hbm.at[uidx_v], ub_v, sem),
            pltpu.async_copy(ib_hbm.at[iidx_v], ib_v, sem),
        ]
        for cp in cps:
            cp.wait()

        lane = lax.iota(jnp.int32, 16)

        def group(g, carry):
            rbase = g * _L
            rows = rbase + lane
            acc = ub_v[pl.ds(rbase, _L)] + ib_v[pl.ds(rbase, _L)]
            for d in range(D):
                col = jnp.full((_L,), d, jnp.int32)
                acc += (plsc.load_gather(urows_v, [rows, col])
                        * plsc.load_gather(irows_v, [rows, col]))
            out_v[pl.ds(rbase, _L)] = acc
            return carry

        lax.fori_loop(0, n_groups, group, 0)

        pltpu.sync_copy(out_v, out_hbm.at[pl.ds(base, b_per_w)])

    return pl.kernel(
        body,
        out_type=jax.ShapeDtypeStruct((B,), jnp.float32),
        mesh=mesh,
        scratch_types=[
            pltpu.VMEM((b_per_w,), jnp.int32),
            pltpu.VMEM((b_per_w,), jnp.int32),
            pltpu.VMEM((b_per_w, D), jnp.float32),
            pltpu.VMEM((b_per_w, D), jnp.float32),
            pltpu.VMEM((b_per_w,), jnp.float32),
            pltpu.VMEM((b_per_w,), jnp.float32),
            pltpu.VMEM((b_per_w,), jnp.float32),
            pltpu.SemaphoreType.DMA,
        ],
        compiler_params=pltpu.CompilerParams(
            needs_layout_passes=False, use_tc_tiling_on_sc=False),
    )


def kernel(user, item, user_embedding, item_embedding, user_biases, item_biases):
    B = user.shape[0]
    D = user_embedding.shape[1]
    fn = _build(B, D)
    return fn(user_embedding, item_embedding,
              user_biases.reshape(-1), item_biases.reshape(-1),
              user.astype(jnp.int32), item.astype(jnp.int32))

# --- scband reference (transcript-rebuilt; emitter-appended) ---
"""Pipeline reference for scband-nmf-24378234372161 (READ-ONLY COPY).

The authoritative reference and input builder live on the scoring server;
editing this copy changes nothing except your own understanding.
"""

import jax, jax.numpy as jnp
import numpy as np

USER_COUNT = 1000000
ITEM_COUNT = 1000000
EMBED_DIM = 32
BATCH = 16384

def setup_inputs(seed: int = 0) -> dict:
    key = jax.random.key(seed)
    k1, k2, k3, k4 = jax.random.split(key, 4)
    user = jax.random.randint(k1, (BATCH,), 0, USER_COUNT, dtype=jnp.int64 if jax.config.jax_enable_x64 else jnp.int32)
    item = jax.random.randint(k2, (BATCH,), 0, ITEM_COUNT, dtype=jnp.int64 if jax.config.jax_enable_x64 else jnp.int32)
    user_embedding = jax.random.normal(k3, (USER_COUNT, EMBED_DIM), dtype=jnp.float32) * (1.0 / EMBED_DIM)
    item_embedding = jax.random.normal(k4, (ITEM_COUNT, EMBED_DIM), dtype=jnp.float32) * (1.0 / EMBED_DIM)
    user_biases = jnp.zeros((USER_COUNT, 1), dtype=jnp.float32)
    item_biases = jnp.zeros((ITEM_COUNT, 1), dtype=jnp.float32)
    return {
        "user": user,
        "item": item,
        "user_embedding": user_embedding,
        "item_embedding": item_embedding,
        "user_biases": user_biases,
        "item_biases": item_biases,
    }

def reference(user, item, user_embedding, item_embedding, user_biases, item_biases):
    user_emb = jnp.take(user_embedding, user, axis=0)          # [B, D]
    item_emb = jnp.take(item_embedding, item, axis=0)          # [B, D]
    dot = jnp.sum(user_emb * item_emb, axis=1)                 # [B]
    relevance = dot + jnp.take(item_biases, item, axis=0).squeeze(-1) + jnp.take(user_biases, user, axis=0).squeeze(-1)
    return relevance

if __name__ == "__main__":
    import jax
    _d = setup_inputs()
    print(jax.jit(kernel)(*tuple(_d.values())))

</pallas_src>

<mosaic_0001>
#map = affine_map<(d0, d1) -> (0, 0)>
#map1 = affine_map<(d0, d1) -> (0)>
module attributes {stable_mosaic.version = 14 : i64} {
  func.func @body(%arg0: i32, %arg1: i32, %arg2: memref<1000000x32xf32, #tpu.memory_space<hbm>>, %arg3: memref<1000000x32xf32, #tpu.memory_space<hbm>>, %arg4: memref<1000000xf32, #tpu.memory_space<hbm>>, %arg5: memref<1000000xf32, #tpu.memory_space<hbm>>, %arg6: memref<16384xi32, #tpu.memory_space<hbm>>, %arg7: memref<16384xi32, #tpu.memory_space<hbm>>, %arg8: memref<16384xf32, #tpu.memory_space<hbm>>, %arg9: memref<512xi32, #tpu.memory_space<vmem>>, %arg10: memref<512xi32, #tpu.memory_space<vmem>>, %arg11: memref<512x32xf32, #tpu.memory_space<vmem>>, %arg12: memref<512x32xf32, #tpu.memory_space<vmem>>, %arg13: memref<512xf32, #tpu.memory_space<vmem>>, %arg14: memref<512xf32, #tpu.memory_space<vmem>>, %arg15: memref<512xf32, #tpu.memory_space<vmem>>, %arg16: memref<!tpu.dma_semaphore, #tpu.memory_space<semaphore_mem>>) attributes {dimension_semantics = [#tpu.dimension_semantics<core_parallel>, #tpu.dimension_semantics<subcore_parallel>], iteration_bounds = array<i64: 2, 16>, scalar_prefetch = 0 : i64, scratch_operands = 8 : i64, tpu.core_type = #tpu.core_type<sc_vector_subcore>, window_params = [{transform_indices = #map}, {transform_indices = #map}, {transform_indices = #map1}, {transform_indices = #map1}, {transform_indices = #map1}, {transform_indices = #map1}, {transform_indices = #map1}]} {
    %mul3A = arith.constant 2 : i32
    %mul3A_0 = arith.muli %arg1, %mul3A : i32
    %add3A = arith.addi %mul3A_0, %arg0 : i32
    %mul3A_1 = arith.constant 512 : i32
    %mul3A_2 = arith.muli %add3A, %mul3A_1 : i32
    "tpu.region"() ({
      %run_scoped3A = tpu.sem_alloc : memref<!tpu.dma_semaphore, #tpu.memory_space<semaphore_mem>>
      %dma_start3A_26 = tpu.memref_slice %arg6[%mul3A_2] : memref<16384xi32, #tpu.memory_space<hbm>> -> memref<512xi32, #tpu.memory_space<hbm>>
      %dma_start3A_27 = tpu.memref_slice %arg6[%mul3A_2] : memref<16384xi32, #tpu.memory_space<hbm>> -> memref<512xi32, #tpu.memory_space<hbm>>
      tpu.enqueue_dma source(%dma_start3A_27 : memref<512xi32, #tpu.memory_space<hbm>>) target(%arg9 : memref<512xi32, #tpu.memory_space<vmem>>) target_semaphore(%run_scoped3A : memref<!tpu.dma_semaphore, #tpu.memory_space<semaphore_mem>>)
      %dma_wait3A_28 = tpu.memref_slice %arg6[%mul3A_2] : memref<16384xi32, #tpu.memory_space<hbm>> -> memref<512xi32, #tpu.memory_space<hbm>>
      %dma_wait3A_29 = tpu.memref_slice %arg6[%mul3A_2] : memref<16384xi32, #tpu.memory_space<hbm>> -> memref<512xi32, #tpu.memory_space<hbm>>
      tpu.wait_dma2 semaphore(%run_scoped3A : memref<!tpu.dma_semaphore, #tpu.memory_space<semaphore_mem>>) src(%dma_wait3A_29 : memref<512xi32, #tpu.memory_space<hbm>>) dst(%arg9 : memref<512xi32, #tpu.memory_space<vmem>>)
      tpu.yield
    }) : () -> ()
    "tpu.region"() ({
      %run_scoped3A = tpu.sem_alloc : memref<!tpu.dma_semaphore, #tpu.memory_space<semaphore_mem>>
      %dma_start3A_26 = tpu.memref_slice %arg7[%mul3A_2] : memref<16384xi32, #tpu.memory_space<hbm>> -> memref<512xi32, #tpu.memory_space<hbm>>
      %dma_start3A_27 = tpu.memref_slice %arg7[%mul3A_2] : memref<16384xi32, #tpu.memory_space<hbm>> -> memref<512xi32, #tpu.memory_space<hbm>>
      tpu.enqueue_dma source(%dma_start3A_27 : memref<512xi32, #tpu.memory_space<hbm>>) target(%arg10 : memref<512xi32, #tpu.memory_space<vmem>>) target_semaphore(%run_scoped3A : memref<!tpu.dma_semaphore, #tpu.memory_space<semaphore_mem>>)
      %dma_wait3A_28 = tpu.memref_slice %arg7[%mul3A_2] : memref<16384xi32, #tpu.memory_space<hbm>> -> memref<512xi32, #tpu.memory_space<hbm>>
      %dma_wait3A_29 = tpu.memref_slice %arg7[%mul3A_2] : memref<16384xi32, #tpu.memory_space<hbm>> -> memref<512xi32, #tpu.memory_space<hbm>>
      tpu.wait_dma2 semaphore(%run_scoped3A : memref<!tpu.dma_semaphore, #tpu.memory_space<semaphore_mem>>) src(%dma_wait3A_29 : memref<512xi32, #tpu.memory_space<hbm>>) dst(%arg10 : memref<512xi32, #tpu.memory_space<vmem>>)
      tpu.yield
    }) : () -> ()
    %dma_start3A = arith.constant 0 : i32
    %dma_start3A_3 = arith.constant 0 : i32
    %dma_start3A_4 = tpu.memref_slice %arg2[%dma_start3A, %dma_start3A_3] : memref<1000000x32xf32, #tpu.memory_space<hbm>> -> memref<1000000x32xf32, #tpu.memory_space<hbm>>
    tpu.enqueue_indirect_dma source(%dma_start3A_4 : memref<1000000x32xf32, #tpu.memory_space<hbm>>) target(%arg11 : memref<512x32xf32, #tpu.memory_space<vmem>>) offsets(%arg9 : memref<512xi32, #tpu.memory_space<vmem>>) semaphore(%arg16 : memref<!tpu.dma_semaphore, #tpu.memory_space<semaphore_mem>>)
    %dma_start3A_5 = arith.constant 0 : i32
    %dma_start3A_6 = arith.constant 0 : i32
    %dma_start3A_7 = tpu.memref_slice %arg3[%dma_start3A_5, %dma_start3A_6] : memref<1000000x32xf32, #tpu.memory_space<hbm>> -> memref<1000000x32xf32, #tpu.memory_space<hbm>>
    tpu.enqueue_indirect_dma source(%dma_start3A_7 : memref<1000000x32xf32, #tpu.memory_space<hbm>>) target(%arg12 : memref<512x32xf32, #tpu.memory_space<vmem>>) offsets(%arg10 : memref<512xi32, #tpu.memory_space<vmem>>) semaphore(%arg16 : memref<!tpu.dma_semaphore, #tpu.memory_space<semaphore_mem>>)
    %dma_start3A_8 = arith.constant 0 : i32
    %dma_start3A_9 = tpu.memref_slice %arg4[%dma_start3A_8] : memref<1000000xf32, #tpu.memory_space<hbm>> -> memref<1000000xf32, #tpu.memory_space<hbm>>
    tpu.enqueue_indirect_dma source(%dma_start3A_9 : memref<1000000xf32, #tpu.memory_space<hbm>>) target(%arg13 : memref<512xf32, #tpu.memory_space<vmem>>) offsets(%arg9 : memref<512xi32, #tpu.memory_space<vmem>>) semaphore(%arg16 : memref<!tpu.dma_semaphore, #tpu.memory_space<semaphore_mem>>)
    %dma_start3A_10 = arith.constant 0 : i32
    %dma_start3A_11 = tpu.memref_slice %arg5[%dma_start3A_10] : memref<1000000xf32, #tpu.memory_space<hbm>> -> memref<1000000xf32, #tpu.memory_space<hbm>>
    tpu.enqueue_indirect_dma source(%dma_start3A_11 : memref<1000000xf32, #tpu.memory_space<hbm>>) target(%arg14 : memref<512xf32, #tpu.memory_space<vmem>>) offsets(%arg10 : memref<512xi32, #tpu.memory_space<vmem>>) semaphore(%arg16 : memref<!tpu.dma_semaphore, #tpu.memory_space<semaphore_mem>>)
    %dma_wait3A = arith.constant 0 : i32
    %dma_wait3A_12 = arith.constant 0 : i32
    %dma_wait3A_13 = tpu.memref_slice %arg2[%dma_wait3A, %dma_wait3A_12] : memref<1000000x32xf32, #tpu.memory_space<hbm>> -> memref<1000000x32xf32, #tpu.memory_space<hbm>>
    tpu.wait_indirect_dma semaphore(%arg16 : memref<!tpu.dma_semaphore, #tpu.memory_space<semaphore_mem>>) src(%dma_wait3A_13 : memref<1000000x32xf32, #tpu.memory_space<hbm>>) dst(%arg11 : memref<512x32xf32, #tpu.memory_space<vmem>>)
    %dma_wait3A_14 = arith.constant 0 : i32
    %dma_wait3A_15 = arith.constant 0 : i32
    %dma_wait3A_16 = tpu.memref_slice %arg3[%dma_wait3A_14, %dma_wait3A_15] : memref<1000000x32xf32, #tpu.memory_space<hbm>> -> memref<1000000x32xf32, #tpu.memory_space<hbm>>
    tpu.wait_indirect_dma semaphore(%arg16 : memref<!tpu.dma_semaphore, #tpu.memory_space<semaphore_mem>>) src(%dma_wait3A_16 : memref<1000000x32xf32, #tpu.memory_space<hbm>>) dst(%arg12 : memref<512x32xf32, #tpu.memory_space<vmem>>)
    %dma_wait3A_17 = arith.constant 0 : i32
    %dma_wait3A_18 = tpu.memref_slice %arg4[%dma_wait3A_17] : memref<1000000xf32, #tpu.memory_space<hbm>> -> memref<1000000xf32, #tpu.memory_space<hbm>>
    tpu.wait_indirect_dma semaphore(%arg16 : memref<!tpu.dma_semaphore, #tpu.memory_space<semaphore_mem>>) src(%dma_wait3A_18 : memref<1000000xf32, #tpu.memory_space<hbm>>) dst(%arg13 : memref<512xf32, #tpu.memory_space<vmem>>)
    %dma_wait3A_19 = arith.constant 0 : i32
    %dma_wait3A_20 = tpu.memref_slice %arg5[%dma_wait3A_19] : memref<1000000xf32, #tpu.memory_space<hbm>> -> memref<1000000xf32, #tpu.memory_space<hbm>>
    tpu.wait_indirect_dma semaphore(%arg16 : memref<!tpu.dma_semaphore, #tpu.memory_space<semaphore_mem>>) src(%dma_wait3A_20 : memref<1000000xf32, #tpu.memory_space<hbm>>) dst(%arg14 : memref<512xf32, #tpu.memory_space<vmem>>)
    %iota3A = tpu.iota {dimensions = array<i32: 0>} : vector<16xi32>
    %scan3A = arith.constant 0 : i32
    %scan3A_21 = arith.constant 0 : i32
    %scan3A_22 = arith.constant 32 : i32
    %scan3A_23 = arith.addi %scan3A_21, %scan3A_22 : i32
    %scan3A_24 = arith.constant 1 : i32
    scf.for %scan3A_26 = %scan3A_21 to %scan3A_23 step %scan3A_24  : i32 {
      %mul3A_27 = arith.constant 16 : i32
      %mul3A_28 = arith.muli %scan3A_26, %mul3A_27 : i32
      %add3A_29 = vector.broadcast %mul3A_28 : i32 to vector<16xi32>
      %add3A_30 = arith.addi %add3A_29, %iota3A : vector<16xi32>
      %get3A = arith.index_cast %mul3A_28 : i32 to index
      %get3A_31 = tpu.vector_load %arg13[%get3A] {strides = array<i32>} : memref<512xf32, #tpu.memory_space<vmem>>, vector<16xf32>,
      %get3A_32 = arith.index_cast %mul3A_28 : i32 to index
      %get3A_33 = tpu.vector_load %arg14[%get3A_32] {strides = array<i32>} : memref<512xf32, #tpu.memory_space<vmem>>, vector<16xf32>,
      %add3A_34 = arith.addf %get3A_31, %get3A_33 : vector<16xf32>
      %broadcast_in_dim3A = arith.constant 0 : i32
      %broadcast_in_dim3A_35 = vector.broadcast %broadcast_in_dim3A : i32 to vector<16xi32>
      %gather3A = tpu.vector_load_idx %arg11[%add3A_30, %broadcast_in_dim3A_35] : memref<512x32xf32, #tpu.memory_space<vmem>>[vector<16xi32>, vector<16xi32>], vector<16xf32>,
      %gather3A_36 = tpu.vector_load_idx %arg12[%add3A_30, %broadcast_in_dim3A_35] : memref<512x32xf32, #tpu.memory_space<vmem>>[vector<16xi32>, vector<16xi32>], vector<16xf32>,
      %mul3A_37 = arith.mulf %gather3A, %gather3A_36 : vector<16xf32>
      %add3A_38 = arith.addf %add3A_34, %mul3A_37 : vector<16xf32>
      %broadcast_in_dim3A_39 = arith.constant 1 : i32
      %broadcast_in_dim3A_40 = vector.broadcast %broadcast_in_dim3A_39 : i32 to vector<16xi32>
      %gather3A_41 = tpu.vector_load_idx %arg11[%add3A_30, %broadcast_in_dim3A_40] : memref<512x32xf32, #tpu.memory_space<vmem>>[vector<16xi32>, vector<16xi32>], vector<16xf32>,
      %gather3A_42 = tpu.vector_load_idx %arg12[%add3A_30, %broadcast_in_dim3A_40] : memref<512x32xf32, #tpu.memory_space<vmem>>[vector<16xi32>, vector<16xi32>], vector<16xf32>,
      %mul3A_43 = arith.mulf %gather3A_41, %gather3A_42 : vector<16xf32>
      %add3A_44 = arith.addf %add3A_38, %mul3A_43 : vector<16xf32>
      %broadcast_in_dim3A_45 = arith.constant 2 : i32
      %broadcast_in_dim3A_46 = vector.broadcast %broadcast_in_dim3A_45 : i32 to vector<16xi32>
      %gather3A_47 = tpu.vector_load_idx %arg11[%add3A_30, %broadcast_in_dim3A_46] : memref<512x32xf32, #tpu.memory_space<vmem>>[vector<16xi32>, vector<16xi32>], vector<16xf32>,
      %gather3A_48 = tpu.vector_load_idx %arg12[%add3A_30, %broadcast_in_dim3A_46] : memref<512x32xf32, #tpu.memory_space<vmem>>[vector<16xi32>, vector<16xi32>], vector<16xf32>,
      %mul3A_49 = arith.mulf %gather3A_47, %gather3A_48 : vector<16xf32>
      %add3A_50 = arith.addf %add3A_44, %mul3A_49 : vector<16xf32>
      %broadcast_in_dim3A_51 = arith.constant 3 : i32
      %broadcast_in_dim3A_52 = vector.broadcast %broadcast_in_dim3A_51 : i32 to vector<16xi32>
      %gather3A_53 = tpu.vector_load_idx %arg11[%add3A_30, %broadcast_in_dim3A_52] : memref<512x32xf32, #tpu.memory_space<vmem>>[vector<16xi32>, vector<16xi32>], vector<16xf32>,
      %gather3A_54 = tpu.vector_load_idx %arg12[%add3A_30, %broadcast_in_dim3A_52] : memref<512x32xf32, #tpu.memory_space<vmem>>[vector<16xi32>, vector<16xi32>], vector<16xf32>,
      %mul3A_55 = arith.mulf %gather3A_53, %gather3A_54 : vector<16xf32>
      %add3A_56 = arith.addf %add3A_50, %mul3A_55 : vector<16xf32>
      %broadcast_in_dim3A_57 = arith.constant 4 : i32
      %broadcast_in_dim3A_58 = vector.broadcast %broadcast_in_dim3A_57 : i32 to vector<16xi32>
      %gather3A_59 = tpu.vector_load_idx %arg11[%add3A_30, %broadcast_in_dim3A_58] : memref<512x32xf32, #tpu.memory_space<vmem>>[vector<16xi32>, vector<16xi32>], vector<16xf32>,
      %gather3A_60 = tpu.vector_load_idx %arg12[%add3A_30, %broadcast_in_dim3A_58] : memref<512x32xf32, #tpu.memory_space<vmem>>[vector<16xi32>, vector<16xi32>], vector<16xf32>,
      %mul3A_61 = arith.mulf %gather3A_59, %gather3A_60 : vector<16xf32>
      %add3A_62 = arith.addf %add3A_56, %mul3A_61 : vector<16xf32>
      %broadcast_in_dim3A_63 = arith.constant 5 : i32
      %broadcast_in_dim3A_64 = vector.broadcast %broadcast_in_dim3A_63 : i32 to vector<16xi32>
      %gather3A_65 = tpu.vector_load_idx %arg11[%add3A_30, %broadcast_in_dim3A_64] : memref<512x32xf32, #tpu.memory_space<vmem>>[vector<16xi32>, vector<16xi32>], vector<16xf32>,
      %gather3A_66 = tpu.vector_load_idx %arg12[%add3A_30, %broadcast_in_dim3A_64] : memref<512x32xf32, #tpu.memory_space<vmem>>[vector<16xi32>, vector<16xi32>], vector<16xf32>,
      %mul3A_67 = arith.mulf %gather3A_65, %gather3A_66 : vector<16xf32>
      %add3A_68 = arith.addf %add3A_62, %mul3A_67 : vector<16xf32>
      %broadcast_in_dim3A_69 = arith.constant 6 : i32
      %broadcast_in_dim3A_70 = vector.broadcast %broadcast_in_dim3A_69 : i32 to vector<16xi32>
      %gather3A_71 = tpu.vector_load_idx %arg11[%add3A_30, %broadcast_in_dim3A_70] : memref<512x32xf32, #tpu.memory_space<vmem>>[vector<16xi32>, vector<16xi32>], vector<16xf32>,
      %gather3A_72 = tpu.vector_load_idx %arg12[%add3A_30, %broadcast_in_dim3A_70] : memref<512x32xf32, #tpu.memory_space<vmem>>[vector<16xi32>, vector<16xi32>], vector<16xf32>,
      %mul3A_73 = arith.mulf %gather3A_71, %gather3A_72 : vector<16xf32>
      %add3A_74 = arith.addf %add3A_68, %mul3A_73 : vector<16xf32>
      %broadcast_in_dim3A_75 = arith.constant 7 : i32
      %broadcast_in_dim3A_76 = vector.broadcast %broadcast_in_dim3A_75 : i32 to vector<16xi32>
      %gather3A_77 = tpu.vector_load_idx %arg11[%add3A_30, %broadcast_in_dim3A_76] : memref<512x32xf32, #tpu.memory_space<vmem>>[vector<16xi32>, vector<16xi32>], vector<16xf32>,
      %gather3A_78 = tpu.vector_load_idx %arg12[%add3A_30, %broadcast_in_dim3A_76] : memref<512x32xf32, #tpu.memory_space<vmem>>[vector<16xi32>, vector<16xi32>], vector<16xf32>,
      %mul3A_79 = arith.mulf %gather3A_77, %gather3A_78 : vector<16xf32>
      %add3A_80 = arith.addf %add3A_74, %mul3A_79 : vector<16xf32>
      %broadcast_in_dim3A_81 = arith.constant 8 : i32
      %broadcast_in_dim3A_82 = vector.broadcast %broadcast_in_dim3A_81 : i32 to vector<16xi32>
      %gather3A_83 = tpu.vector_load_idx %arg11[%add3A_30, %broadcast_in_dim3A_82] : memref<512x32xf32, #tpu.memory_space<vmem>>[vector<16xi32>, vector<16xi32>], vector<16xf32>,
      %gather3A_84 = tpu.vector_load_idx %arg12[%add3A_30, %broadcast_in_dim3A_82] : memref<512x32xf32, #tpu.memory_space<vmem>>[vector<16xi32>, vector<16xi32>], vector<16xf32>,
      %mul3A_85 = arith.mulf %gather3A_83, %gather3A_84 : vector<16xf32>
      %add3A_86 = arith.addf %add3A_80, %mul3A_85 : vector<16xf32>
      %broadcast_in_dim3A_87 = arith.constant 9 : i32
      %broadcast_in_dim3A_88 = vector.broadcast %broadcast_in_dim3A_87 : i32 to vector<16xi32>
      %gather3A_89 = tpu.vector_load_idx %arg11[%add3A_30, %broadcast_in_dim3A_88] : memref<512x32xf32, #tpu.memory_space<vmem>>[vector<16xi32>, vector<16xi32>], vector<16xf32>,
      %gather3A_90 = tpu.vector_load_idx %arg12[%add3A_30, %broadcast_in_dim3A_88] : memref<512x32xf32, #tpu.memory_space<vmem>>[vector<16xi32>, vector<16xi32>], vector<16xf32>,
      %mul3A_91 = arith.mulf %gather3A_89, %gather3A_90 : vector<16xf32>
      %add3A_92 = arith.addf %add3A_86, %mul3A_91 : vector<16xf32>
      %broadcast_in_dim3A_93 = arith.constant 10 : i32
      %broadcast_in_dim3A_94 = vector.broadcast %broadcast_in_dim3A_93 : i32 to vector<16xi32>
      %gather3A_95 = tpu.vector_load_idx %arg11[%add3A_30, %broadcast_in_dim3A_94] : memref<512x32xf32, #tpu.memory_space<vmem>>[vector<16xi32>, vector<16xi32>], vector<16xf32>,
      %gather3A_96 = tpu.vector_load_idx %arg12[%add3A_30, %broadcast_in_dim3A_94] : memref<512x32xf32, #tpu.memory_space<vmem>>[vector<16xi32>, vector<16xi32>], vector<16xf32>,
      %mul3A_97 = arith.mulf %gather3A_95, %gather3A_96 : vector<16xf32>
      %add3A_98 = arith.addf %add3A_92, %mul3A_97 : vector<16xf32>
      %broadcast_in_dim3A_99 = arith.constant 11 : i32
      %broadcast_in_dim3A_100 = vector.broadcast %broadcast_in_dim3A_99 : i32 to vector<16xi32>
      %gather3A_101 = tpu.vector_load_idx %arg11[%add3A_30, %broadcast_in_dim3A_100] : memref<512x32xf32, #tpu.memory_space<vmem>>[vector<16xi32>, vector<16xi32>], vector<16xf32>,
      %gather3A_102 = tpu.vector_load_idx %arg12[%add3A_30, %broadcast_in_dim3A_100] : memref<512x32xf32, #tpu.memory_space<vmem>>[vector<16xi32>, vector<16xi32>], vector<16xf32>,
      %mul3A_103 = arith.mulf %gather3A_101, %gather3A_102 : vector<16xf32>
      %add3A_104 = arith.addf %add3A_98, %mul3A_103 : vector<16xf32>
      %broadcast_in_dim3A_105 = arith.constant 12 : i32
      %broadcast_in_dim3A_106 = vector.broadcast %broadcast_in_dim3A_105 : i32 to vector<16xi32>
      %gather3A_107 = tpu.vector_load_idx %arg11[%add3A_30, %broadcast_in_dim3A_106] : memref<512x32xf32, #tpu.memory_space<vmem>>[vector<16xi32>, vector<16xi32>], vector<16xf32>,
      %gather3A_108 = tpu.vector_load_idx %arg12[%add3A_30, %broadcast_in_dim3A_106] : memref<512x32xf32, #tpu.memory_space<vmem>>[vector<16xi32>, vector<16xi32>], vector<16xf32>,
      %mul3A_109 = arith.mulf %gather3A_107, %gather3A_108 : vector<16xf32>
      %add3A_110 = arith.addf %add3A_104, %mul3A_109 : vector<16xf32>
      %broadcast_in_dim3A_111 = arith.constant 13 : i32
      %broadcast_in_dim3A_112 = vector.broadcast %broadcast_in_dim3A_111 : i32 to vector<16xi32>
      %gather3A_113 = tpu.vector_load_idx %arg11[%add3A_30, %broadcast_in_dim3A_112] : memref<512x32xf32, #tpu.memory_space<vmem>>[vector<16xi32>, vector<16xi32>], vector<16xf32>,
      %gather3A_114 = tpu.vector_load_idx %arg12[%add3A_30, %broadcast_in_dim3A_112] : memref<512x32xf32, #tpu.memory_space<vmem>>[vector<16xi32>, vector<16xi32>], vector<16xf32>,
      %mul3A_115 = arith.mulf %gather3A_113, %gather3A_114 : vector<16xf32>
      %add3A_116 = arith.addf %add3A_110, %mul3A_115 : vector<16xf32>
      %broadcast_in_dim3A_117 = arith.constant 14 : i32
      %broadcast_in_dim3A_118 = vector.broadcast %broadcast_in_dim3A_117 : i32 to vector<16xi32>
      %gather3A_119 = tpu.vector_load_idx %arg11[%add3A_30, %broadcast_in_dim3A_118] : memref<512x32xf32, #tpu.memory_space<vmem>>[vector<16xi32>, vector<16xi32>], vector<16xf32>,
      %gather3A_120 = tpu.vector_load_idx %arg12[%add3A_30, %broadcast_in_dim3A_118] : memref<512x32xf32, #tpu.memory_space<vmem>>[vector<16xi32>, vector<16xi32>], vector<16xf32>,
      %mul3A_121 = arith.mulf %gather3A_119, %gather3A_120 : vector<16xf32>
      %add3A_122 = arith.addf %add3A_116, %mul3A_121 : vector<16xf32>
      %broadcast_in_dim3A_123 = arith.constant 15 : i32
      %broadcast_in_dim3A_124 = vector.broadcast %broadcast_in_dim3A_123 : i32 to vector<16xi32>
      %gather3A_125 = tpu.vector_load_idx %arg11[%add3A_30, %broadcast_in_dim3A_124] : memref<512x32xf32, #tpu.memory_space<vmem>>[vector<16xi32>, vector<16xi32>], vector<16xf32>,
      %gather3A_126 = tpu.vector_load_idx %arg12[%add3A_30, %broadcast_in_dim3A_124] : memref<512x32xf32, #tpu.memory_space<vmem>>[vector<16xi32>, vector<16xi32>], vector<16xf32>,
      %mul3A_127 = arith.mulf %gather3A_125, %gather3A_126 : vector<16xf32>
      %add3A_128 = arith.addf %add3A_122, %mul3A_127 : vector<16xf32>
      %broadcast_in_dim3A_129 = arith.constant 16 : i32
      %broadcast_in_dim3A_130 = vector.broadcast %broadcast_in_dim3A_129 : i32 to vector<16xi32>
      %gather3A_131 = tpu.vector_load_idx %arg11[%add3A_30, %broadcast_in_dim3A_130] : memref<512x32xf32, #tpu.memory_space<vmem>>[vector<16xi32>, vector<16xi32>], vector<16xf32>,
      %gather3A_132 = tpu.vector_load_idx %arg12[%add3A_30, %broadcast_in_dim3A_130] : memref<512x32xf32, #tpu.memory_space<vmem>>[vector<16xi32>, vector<16xi32>], vector<16xf32>,
      %mul3A_133 = arith.mulf %gather3A_131, %gather3A_132 : vector<16xf32>
      %add3A_134 = arith.addf %add3A_128, %mul3A_133 : vector<16xf32>
      %broadcast_in_dim3A_135 = arith.constant 17 : i32
      %broadcast_in_dim3A_136 = vector.broadcast %broadcast_in_dim3A_135 : i32 to vector<16xi32>
      %gather3A_137 = tpu.vector_load_idx %arg11[%add3A_30, %broadcast_in_dim3A_136] : memref<512x32xf32, #tpu.memory_space<vmem>>[vector<16xi32>, vector<16xi32>], vector<16xf32>,
      %gather3A_138 = tpu.vector_load_idx %arg12[%add3A_30, %broadcast_in_dim3A_136] : memref<512x32xf32, #tpu.memory_space<vmem>>[vector<16xi32>, vector<16xi32>], vector<16xf32>,
      %mul3A_139 = arith.mulf %gather3A_137, %gather3A_138 : vector<16xf32>
      %add3A_140 = arith.addf %add3A_134, %mul3A_139 : vector<16xf32>
      %broadcast_in_dim3A_141 = arith.constant 18 : i32
      %broadcast_in_dim3A_142 = vector.broadcast %broadcast_in_dim3A_141 : i32 to vector<16xi32>
      %gather3A_143 = tpu.vector_load_idx %arg11[%add3A_30, %broadcast_in_dim3A_142] : memref<512x32xf32, #tpu.memory_space<vmem>>[vector<16xi32>, vector<16xi32>], vector<16xf32>,
      %gather3A_144 = tpu.vector_load_idx %arg12[%add3A_30, %broadcast_in_dim3A_142] : memref<512x32xf32, #tpu.memory_space<vmem>>[vector<16xi32>, vector<16xi32>], vector<16xf32>,
      %mul3A_145 = arith.mulf %gather3A_143, %gather3A_144 : vector<16xf32>
      %add3A_146 = arith.addf %add3A_140, %mul3A_145 : vector<16xf32>
      %broadcast_in_dim3A_147 = arith.constant 19 : i32
      %broadcast_in_dim3A_148 = vector.broadcast %broadcast_in_dim3A_147 : i32 to vector<16xi32>
      %gather3A_149 = tpu.vector_load_idx %arg11[%add3A_30, %broadcast_in_dim3A_148] : memref<512x32xf32, #tpu.memory_space<vmem>>[vector<16xi32>, vector<16xi32>], vector<16xf32>,
      %gather3A_150 = tpu.vector_load_idx %arg12[%add3A_30, %broadcast_in_dim3A_148] : memref<512x32xf32, #tpu.memory_space<vmem>>[vector<16xi32>, vector<16xi32>], vector<16xf32>,
      %mul3A_151 = arith.mulf %gather3A_149, %gather3A_150 : vector<16xf32>
      %add3A_152 = arith.addf %add3A_146, %mul3A_151 : vector<16xf32>
      %broadcast_in_dim3A_153 = arith.constant 20 : i32
      %broadcast_in_dim3A_154 = vector.broadcast %broadcast_in_dim3A_153 : i32 to vector<16xi32>
      %gather3A_155 = tpu.vector_load_idx %arg11[%add3A_30, %broadcast_in_dim3A_154] : memref<512x32xf32, #tpu.memory_space<vmem>>[vector<16xi32>, vector<16xi32>], vector<16xf32>,
      %gather3A_156 = tpu.vector_load_idx %arg12[%add3A_30, %broadcast_in_dim3A_154] : memref<512x32xf32, #tpu.memory_space<vmem>>[vector<16xi32>, vector<16xi32>], vector<16xf32>,
      %mul3A_157 = arith.mulf %gather3A_155, %gather3A_156 : vector<16xf32>
      %add3A_158 = arith.addf %add3A_152, %mul3A_157 : vector<16xf32>
      %broadcast_in_dim3A_159 = arith.constant 21 : i32
      %broadcast_in_dim3A_160 = vector.broadcast %broadcast_in_dim3A_159 : i32 to vector<16xi32>
      %gather3A_161 = tpu.vector_load_idx %arg11[%add3A_30, %broadcast_in_dim3A_160] : memref<512x32xf32, #tpu.memory_space<vmem>>[vector<16xi32>, vector<16xi32>], vector<16xf32>,
      %gather3A_162 = tpu.vector_load_idx %arg12[%add3A_30, %broadcast_in_dim3A_160] : memref<512x32xf32, #tpu.memory_space<vmem>>[vector<16xi32>, vector<16xi32>], vector<16xf32>,
      %mul3A_163 = arith.mulf %gather3A_161, %gather3A_162 : vector<16xf32>
      %add3A_164 = arith.addf %add3A_158, %mul3A_163 : vector<16xf32>
      %broadcast_in_dim3A_165 = arith.constant 22 : i32
      %broadcast_in_dim3A_166 = vector.broadcast %broadcast_in_dim3A_165 : i32 to vector<16xi32>
      %gather3A_167 = tpu.vector_load_idx %arg11[%add3A_30, %broadcast_in_dim3A_166] : memref<512x32xf32, #tpu.memory_space<vmem>>[vector<16xi32>, vector<16xi32>], vector<16xf32>,
      %gather3A_168 = tpu.vector_load_idx %arg12[%add3A_30, %broadcast_in_dim3A_166] : memref<512x32xf32, #tpu.memory_space<vmem>>[vector<16xi32>, vector<16xi32>], vector<16xf32>,
      %mul3A_169 = arith.mulf %gather3A_167, %gather3A_168 : vector<16xf32>
      %add3A_170 = arith.addf %add3A_164, %mul3A_169 : vector<16xf32>
      %broadcast_in_dim3A_171 = arith.constant 23 : i32
      %broadcast_in_dim3A_172 = vector.broadcast %broadcast_in_dim3A_171 : i32 to vector<16xi32>
      %gather3A_173 = tpu.vector_load_idx %arg11[%add3A_30, %broadcast_in_dim3A_172] : memref<512x32xf32, #tpu.memory_space<vmem>>[vector<16xi32>, vector<16xi32>], vector<16xf32>,
      %gather3A_174 = tpu.vector_load_idx %arg12[%add3A_30, %broadcast_in_dim3A_172] : memref<512x32xf32, #tpu.memory_space<vmem>>[vector<16xi32>, vector<16xi32>], vector<16xf32>,
      %mul3A_175 = arith.mulf %gather3A_173, %gather3A_174 : vector<16xf32>
      %add3A_176 = arith.addf %add3A_170, %mul3A_175 : vector<16xf32>
      %broadcast_in_dim3A_177 = arith.constant 24 : i32
      %broadcast_in_dim3A_178 = vector.broadcast %broadcast_in_dim3A_177 : i32 to vector<16xi32>
      %gather3A_179 = tpu.vector_load_idx %arg11[%add3A_30, %broadcast_in_dim3A_178] : memref<512x32xf32, #tpu.memory_space<vmem>>[vector<16xi32>, vector<16xi32>], vector<16xf32>,
      %gather3A_180 = tpu.vector_load_idx %arg12[%add3A_30, %broadcast_in_dim3A_178] : memref<512x32xf32, #tpu.memory_space<vmem>>[vector<16xi32>, vector<16xi32>], vector<16xf32>,
      %mul3A_181 = arith.mulf %gather3A_179, %gather3A_180 : vector<16xf32>
      %add3A_182 = arith.addf %add3A_176, %mul3A_181 : vector<16xf32>
      %broadcast_in_dim3A_183 = arith.constant 25 : i32
      %broadcast_in_dim3A_184 = vector.broadcast %broadcast_in_dim3A_183 : i32 to vector<16xi32>
      %gather3A_185 = tpu.vector_load_idx %arg11[%add3A_30, %broadcast_in_dim3A_184] : memref<512x32xf32, #tpu.memory_space<vmem>>[vector<16xi32>, vector<16xi32>], vector<16xf32>,
      %gather3A_186 = tpu.vector_load_idx %arg12[%add3A_30, %broadcast_in_dim3A_184] : memref<512x32xf32, #tpu.memory_space<vmem>>[vector<16xi32>, vector<16xi32>], vector<16xf32>,
      %mul3A_187 = arith.mulf %gather3A_185, %gather3A_186 : vector<16xf32>
      %add3A_188 = arith.addf %add3A_182, %mul3A_187 : vector<16xf32>
      %broadcast_in_dim3A_189 = arith.constant 26 : i32
      %broadcast_in_dim3A_190 = vector.broadcast %broadcast_in_dim3A_189 : i32 to vector<16xi32>
      %gather3A_191 = tpu.vector_load_idx %arg11[%add3A_30, %broadcast_in_dim3A_190] : memref<512x32xf32, #tpu.memory_space<vmem>>[vector<16xi32>, vector<16xi32>], vector<16xf32>,
      %gather3A_192 = tpu.vector_load_idx %arg12[%add3A_30, %broadcast_in_dim3A_190] : memref<512x32xf32, #tpu.memory_space<vmem>>[vector<16xi32>, vector<16xi32>], vector<16xf32>,
      %mul3A_193 = arith.mulf %gather3A_191, %gather3A_192 : vector<16xf32>
      %add3A_194 = arith.addf %add3A_188, %mul3A_193 : vector<16xf32>
      %broadcast_in_dim3A_195 = arith.constant 27 : i32
      %broadcast_in_dim3A_196 = vector.broadcast %broadcast_in_dim3A_195 : i32 to vector<16xi32>
      %gather3A_197 = tpu.vector_load_idx %arg11[%add3A_30, %broadcast_in_dim3A_196] : memref<512x32xf32, #tpu.memory_space<vmem>>[vector<16xi32>, vector<16xi32>], vector<16xf32>,
      %gather3A_198 = tpu.vector_load_idx %arg12[%add3A_30, %broadcast_in_dim3A_196] : memref<512x32xf32, #tpu.memory_space<vmem>>[vector<16xi32>, vector<16xi32>], vector<16xf32>,
      %mul3A_199 = arith.mulf %gather3A_197, %gather3A_198 : vector<16xf32>
      %add3A_200 = arith.addf %add3A_194, %mul3A_199 : vector<16xf32>
      %broadcast_in_dim3A_201 = arith.constant 28 : i32
      %broadcast_in_dim3A_202 = vector.broadcast %broadcast_in_dim3A_201 : i32 to vector<16xi32>
      %gather3A_203 = tpu.vector_load_idx %arg11[%add3A_30, %broadcast_in_dim3A_202] : memref<512x32xf32, #tpu.memory_space<vmem>>[vector<16xi32>, vector<16xi32>], vector<16xf32>,
      %gather3A_204 = tpu.vector_load_idx %arg12[%add3A_30, %broadcast_in_dim3A_202] : memref<512x32xf32, #tpu.memory_space<vmem>>[vector<16xi32>, vector<16xi32>], vector<16xf32>,
      %mul3A_205 = arith.mulf %gather3A_203, %gather3A_204 : vector<16xf32>
      %add3A_206 = arith.addf %add3A_200, %mul3A_205 : vector<16xf32>
      %broadcast_in_dim3A_207 = arith.constant 29 : i32
      %broadcast_in_dim3A_208 = vector.broadcast %broadcast_in_dim3A_207 : i32 to vector<16xi32>
      %gather3A_209 = tpu.vector_load_idx %arg11[%add3A_30, %broadcast_in_dim3A_208] : memref<512x32xf32, #tpu.memory_space<vmem>>[vector<16xi32>, vector<16xi32>], vector<16xf32>,
      %gather3A_210 = tpu.vector_load_idx %arg12[%add3A_30, %broadcast_in_dim3A_208] : memref<512x32xf32, #tpu.memory_space<vmem>>[vector<16xi32>, vector<16xi32>], vector<16xf32>,
      %mul3A_211 = arith.mulf %gather3A_209, %gather3A_210 : vector<16xf32>
      %add3A_212 = arith.addf %add3A_206, %mul3A_211 : vector<16xf32>
      %broadcast_in_dim3A_213 = arith.constant 30 : i32
      %broadcast_in_dim3A_214 = vector.broadcast %broadcast_in_dim3A_213 : i32 to vector<16xi32>
      %gather3A_215 = tpu.vector_load_idx %arg11[%add3A_30, %broadcast_in_dim3A_214] : memref<512x32xf32, #tpu.memory_space<vmem>>[vector<16xi32>, vector<16xi32>], vector<16xf32>,
      %gather3A_216 = tpu.vector_load_idx %arg12[%add3A_30, %broadcast_in_dim3A_214] : memref<512x32xf32, #tpu.memory_space<vmem>>[vector<16xi32>, vector<16xi32>], vector<16xf32>,
      %mul3A_217 = arith.mulf %gather3A_215, %gather3A_216 : vector<16xf32>
      %add3A_218 = arith.addf %add3A_212, %mul3A_217 : vector<16xf32>
      %broadcast_in_dim3A_219 = arith.constant 31 : i32
      %broadcast_in_dim3A_220 = vector.broadcast %broadcast_in_dim3A_219 : i32 to vector<16xi32>
      %gather3A_221 = tpu.vector_load_idx %arg11[%add3A_30, %broadcast_in_dim3A_220] : memref<512x32xf32, #tpu.memory_space<vmem>>[vector<16xi32>, vector<16xi32>], vector<16xf32>,
      %gather3A_222 = tpu.vector_load_idx %arg12[%add3A_30, %broadcast_in_dim3A_220] : memref<512x32xf32, #tpu.memory_space<vmem>>[vector<16xi32>, vector<16xi32>], vector<16xf32>,
      %mul3A_223 = arith.mulf %gather3A_221, %gather3A_222 : vector<16xf32>
      %add3A_224 = arith.addf %add3A_218, %mul3A_223 : vector<16xf32>
      %swap3A = arith.index_cast %mul3A_28 : i32 to index
      %swap3A_225 = tpu.vector_load %arg15[%swap3A] {strides = array<i32>} : memref<512xf32, #tpu.memory_space<vmem>>, vector<16xf32>,
      tpu.vector_store %arg15[%swap3A], %add3A_224 {strides = array<i32>} : memref<512xf32, #tpu.memory_space<vmem>>, vector<16xf32>,
    }
    %scan3A_25 = arith.constant 32 : i32
    "tpu.region"() ({
      %run_scoped3A = tpu.sem_alloc : memref<!tpu.dma_semaphore, #tpu.memory_space<semaphore_mem>>
      %dma_start3A_26 = tpu.memref_slice %arg8[%mul3A_2] : memref<16384xf32, #tpu.memory_space<hbm>> -> memref<512xf32, #tpu.memory_space<hbm>>
      %dma_start3A_27 = tpu.memref_slice %arg8[%mul3A_2] : memref<16384xf32, #tpu.memory_space<hbm>> -> memref<512xf32, #tpu.memory_space<hbm>>
      tpu.enqueue_dma source(%arg15 : memref<512xf32, #tpu.memory_space<vmem>>) target(%dma_start3A_27 : memref<512xf32, #tpu.memory_space<hbm>>) target_semaphore(%run_scoped3A : memref<!tpu.dma_semaphore, #tpu.memory_space<semaphore_mem>>)
      %dma_wait3A_28 = tpu.memref_slice %arg8[%mul3A_2] : memref<16384xf32, #tpu.memory_space<hbm>> -> memref<512xf32, #tpu.memory_space<hbm>>
      %dma_wait3A_29 = tpu.memref_slice %arg8[%mul3A_2] : memref<16384xf32, #tpu.memory_space<hbm>> -> memref<512xf32, #tpu.memory_space<hbm>>
      tpu.wait_dma2 semaphore(%run_scoped3A : memref<!tpu.dma_semaphore, #tpu.memory_space<semaphore_mem>>) src(%arg15 : memref<512xf32, #tpu.memory_space<vmem>>) dst(%dma_wait3A_29 : memref<512xf32, #tpu.memory_space<hbm>>)
      tpu.yield
    }) : () -> ()
    return
  }
}

</mosaic_0001>

<sc_bundles>
// kernel: kernel.3.cloned.1.call-start
scs
__scs_entry_jumppad:
0x0: {  	(pc) =	sbr.rel $0x88, $3  }
0x1: {  	(tag) =	ssettag $0x0;
	lr =	simm.s32 $0x1  }
0x2: {  	[smem:$0x3F9B] =	sst lr;
	_ =	strace $0xD0000000  }
0x3: {  	_ = 	snop  }
0x4: {  	_ = 	snop  }
0x5: {  	_ = 	snop  }
0x6: {  	_ = 	snop  }
0x7: {  	_ = 	snop  }
__scs_overlays_trampoline_lowered:
0x8: {  	[smem:$0x3FAA] =	sst s0  }
0x9: {  	[smem:$0x3FAB] =	sst s1  }
0xa: {  	[smem:$0x3FAC] =	sst s2  }
0xb: {  	[smem:$0x3FAD] =	sst s3  }
0xc: {  	[smem:$0x3FAE] =	sst s4  }
0xd: {  	[smem:$0x3FAF] =	sst s5  }
0xe: {  	[smem:$0x3FB0] =	sst s6  }
0xf: {  	[smem:$0x3FB1] =	sst s7  }
0x10: {  	[smem:$0x3FB2] =	sst s8  }
0x11: {  	[smem:$0x3FB3] =	sst s9;
	s0 =	simm.s32 @!p0 $0x0  }
0x12: {  	s1 =	sld [smem:$0x3F99];
	s0 =	simm.s32 @p0 $0x1  }
0x13: {  	[smem:$0x3FB4] =	sst s0;
	s0 =	simm.s32 @!p1 $0x0  }
0x14: {  	s2 =	sld [smem:$0x3F98];
	s0 =	simm.s32 @p1 $0x1  }
0x15: {  	[smem:$0x3FB5] =	sst s0;
	s0 =	simm.s32 @!p2 $0x0  }
0x16: {  	s3 =	sld [smem:$0x3FDB];
	s0 =	simm.s32 @p2 $0x1  }
0x17: {  	s4 =	simm.s32 $0x1BF5;
	[smem:$0x3FB7] =	sst s0  }
0x18: {  	s0 =	sld [smem:$0x3F9A];
	_ =	swait.ge [sflag:s4], $0x0  }
0x19: {  	s7 =	sld [smem:$0x3F9B]  }
0x1a: {  	s8 =	sadd.s32 $0xFFFFE003, lr  }
0x1b: {  	s9 =	sadd.s32 $0xFFFFFEF7, lr;
	s5 =	simm.s32 $0xFFFFFFFF;
	p2 =	slt.u32 s8, $0xFFFFF086  }
0x1c: {  	p1 =	slt.u32 s9, $0xF7A;
	s5 =	simm.s32 @!p2 $0x0  }
0x1d: {  	s5 =	simm.s32 @p1 $0x1;
	p0 =	seq.s32 s7, s2  }
0x1e: {  	s7 =	smul.u32 @!p0 $0xF7A, s2;
	p2 =	seq.s32 @!p0 s5, $0x0  }
0x1f: {  	s9 =	smul.u32 $0xF7A, s1;
	s8 =	simm.s32 @!p0 $0x1BF5;
	p2 =	por !p2, p0  }
0x20: {  	[sflag:s8] =	ssyncset.s32 @!p0 $0xFFFFF086;
	s6 =	sadd.s32 @!p0 s3, s7;
	s7 =	simm.s32 @!p0 $0x108  }
0x21: {  	s3 =	sadd.s32 s3, s9;
	s6 =	sadd.s32 @!p0 $0x88, s6;
	s7 =	simm.s32 @p2 $0x1082  }
0x22: {  	[simem:s7], [sflag:s8] =	dma.local @!p0 [hbm:s6], $0xF7A  }
0x23: {  	s9 =	sor.u32 $0xD0000000, s2;
	s6 =	simm.s32 $0x108;
	_ =	swait.ge @!p0 [sflag:s8], $0x0  }
0x24: {  	s3 =	sadd.s32 $0x88, s3;
	s6 =	simm.s32 @!p1 $0x1082;
	[sflag:s4] =	ssyncset.s32 $0xFFFFF086  }
0x25: {  	[simem:s6], [sflag:s4] =	dma.local [hbm:s3], $0xF7A  }
0x26: {  	[smem:$0x3F9B] =	sst s1;
	(tag) =	ssettag s2;
	_ =	strace s9  }
0x27: {  	s1 =	sld [smem:$0x3FAB]  }
0x28: {  	s2 =	sld [smem:$0x3FAC]  }
0x29: {  	s4 =	sld [smem:$0x3FAE]  }
0x2a: {  	p0 =	seq.s32 s5, $0x0;
	s5 =	sld [smem:$0x3FAF]  }
0x2b: {  	s6 =	sld [smem:$0x3FB0]  }
0x2c: {  	s7 =	sld [smem:$0x3FB1]  }
0x2d: {  	s3 =	simm.s32 $0x108;
	s8 =	sld [smem:$0x3FB2]  }
0x2e: {  	s3 =	simm.s32 @!p0 $0x1082;
	s9 =	sld [smem:$0x3FB3]  }
0x2f: {  	lr =	sadd.s32 s0, s3;
	s0 =	sld [smem:$0x3FAA]  }
0x30: {  	s3 =	sld [smem:$0x3FAD]  }
0x31: {  	[smem:$0x3FB6] =	sst s10  }
0x32: {  	s10 =	sld [smem:$0x3FB4];
	_ =	sdelay $0x3  }
0x33: {  	p0 =	seq.s32 s10, $0x1;
	s10 =	sld [smem:$0x3FB6];
	_ =	sdelay $0x3  }
0x34: {  	[smem:$0x3FB6] =	sst s10  }
0x35: {  	s10 =	sld [smem:$0x3FB5];
	_ =	sdelay $0x3  }
0x36: {  	p1 =	seq.s32 s10, $0x1;
	s10 =	sld [smem:$0x3FB6];
	_ =	sdelay $0x3  }
0x37: {  	[smem:$0x3FB6] =	sst s10  }
0x38: {  	s10 =	sld [smem:$0x3FB7]  }
0x39: {  	_ = 	snop;
	(pc) =	sbr.ind lr, $3  }
0x3a: {  	_ = 	snop  }
0x3b: {  	_ = 	snop  }
0x3c: {  	p2 =	seq.s32 s10, $0x1;
	s10 =	sld [smem:$0x3FB6]  }
0x3d: {  	_ =	shalt  }
0x3e: {  	_ =	shalt  }
0x3f: {  	_ =	shalt  }
0x40: {  	_ =	shalt  }
0x41: {  	_ =	shalt  }
0x42: {  	_ =	shalt  }
0x43: {  	_ =	shalt  }
0x44: {  	_ =	shalt  }
0x45: {  	_ =	shalt  }
0x46: {  	_ =	shalt  }
0x47: {  	_ =	shalt  }
0x48: {  	_ =	shalt  }
0x49: {  	_ =	shalt  }
0x4a: {  	_ =	shalt  }
0x4b: {  	_ =	shalt  }
0x4c: {  	_ =	shalt  }
0x4d: {  	_ =	shalt  }
0x4e: {  	_ =	shalt  }
0x4f: {  	_ =	shalt  }
0x50: {  	_ =	shalt  }
0x51: {  	_ =	shalt  }
0x52: {  	_ =	shalt  }
0x53: {  	_ =	shalt  }
0x54: {  	_ =	shalt  }
0x55: {  	_ =	shalt  }
0x56: {  	_ =	shalt  }
0x57: {  	_ =	shalt  }
0x58: {  	_ =	shalt  }
0x59: {  	_ =	shalt  }
0x5a: {  	_ =	shalt  }
0x5b: {  	_ =	shalt  }
0x5c: {  	_ =	shalt  }
0x5d: {  	_ =	shalt  }
0x5e: {  	_ =	shalt  }
0x5f: {  	_ =	shalt  }
0x60: {  	_ =	shalt  }
0x61: {  	_ =	shalt  }
0x62: {  	_ =	shalt  }
0x63: {  	_ =	shalt  }
0x64: {  	_ =	shalt  }
0x65: {  	_ =	shalt  }
0x66: {  	_ =	shalt  }
0x67: {  	_ =	shalt  }
0x68: {  	_ =	shalt  }
0x69: {  	_ =	shalt  }
0x6a: {  	_ =	shalt  }
0x6b: {  	_ =	shalt  }
0x6c: {  	_ =	shalt  }
0x6d: {  	_ =	shalt  }
0x6e: {  	_ =	shalt  }
0x6f: {  	_ =	shalt  }
0x70: {  	_ =	shalt  }
0x71: {  	_ =	shalt  }
0x72: {  	_ =	shalt  }
0x73: {  	_ =	shalt  }
0x74: {  	_ =	shalt  }
0x75: {  	_ =	shalt  }
0x76: {  	_ =	shalt  }
0x77: {  	_ =	shalt  }
0x78: {  	_ =	shalt  }
0x79: {  	_ =	shalt  }
0x7a: {  	_ =	shalt  }
0x7b: {  	_ =	shalt  }
0x7c: {  	_ =	shalt  }
0x7d: {  	_ =	shalt  }
0x7e: {  	_ =	shalt  }
0x7f: {  	_ =	shalt  }
0x80: {  	_ =	shalt  }
0x81: {  	_ =	shalt  }
0x82: {  	_ =	shalt  }
0x83: {  	_ =	shalt  }
0x84: {  	_ =	shalt  }
0x85: {  	_ =	shalt  }
0x86: {  	_ =	shalt  }
0x87: {  	_ =	shalt  }
.Lfunc_end0:
.L_simem_size_0:
called_computation_lowered:
.L_overlay_start_0:
0x88: {  	s2 =	sld [smem:$0x3FD9]  }
0x89: {  	s3 =	sld [smem:$0x3FFE];
	_ =	sdelay $0x1  }
0x8a: {  	s1 =	srdreg.scid  }
0x8b: {  	s0 =	sand.u32 $0x1, s1  }
0x8c: {  	s17 =	sshll.u32 s0, $0xA;
	s2 =	sadd.s32 s3, s2  }
0x8d: {  	s2 =	sadd.s32 s2, s17  }
0x8e: {  	[smem:$0x3FC2] =	sst s2  }
0x8f: {  	_ = 	snop  }
0x90: {  	s2 =	sld [smem:$0x3FC9]  }
0x91: {  	s18 =	sld [smem:$0x3FC8]  }
0x92: {  	s4 =	sld [smem:$0x3FD0];
	(tm) =	ssettm $0x1  }
0x93: {  	s5 =	sld [smem:$0x3FFB];
	_ =	sdelay $0x3  }
0x94: {  	_ =	strace s5  }
0x95: {  	s5 =	sld [smem:$0x3FFC];
	_ =	sdelay $0x3  }
0x96: {  	_ =	strace s5  }
0x97: {  	s5 =	sld [smem:$0x3FFD];
	_ =	sdelay $0x3  }
0x98: {  	_ =	strace s5  }
0x99: {  	_ =	strace $0x8FFFFFFF  }
0x9a: {  	s19 =	sld [smem:$0x3FDB];
	_ =	sdelay $0x1  }
0x9b: {  	s6 =	simm.s32 $_scs_section_size  }
0x9c: {  	s7 =	simm.s32 $_size__tile_overlayer_lowered;
	s8 =	simm.s32 $_tile_overlayer_lowered  }
0x9d: {  	s22 =	simm.s32 $0x1BFF;
	s21 =	sshll.u32 s8, $0x1;
	s5 =	sadd.s32 s6, s19  }
0x9e: {  	s9 =	simm.s32 $0x0;
	s20 =	sshll.u32 s7, $0x1;
	s7 =	sadd.s32 s21, s5  }
0x9f: {  	[timem:s9], [sflag:s22] =	dma.local [hbm:s7], s20  }
0xa0: {  	_ =	swait.ge [sflag:s22], s20  }
0xa1: {  	s6 =	ssub.s32 $0x0, s20;
	[sflag:s22] =	ssyncset.done $0x0  }
0xa2: {  	[sflag:s22] =	ssyncadd.s32 s6;
	_ =	sdelay $0x1  }
0xa3: {  	s23 =	simm.s32 $0x1B8B  }
0xa4: {  	_ =	swait.ge [sflag:s23], $0x1  }
0xa5: {  	[sflag:s23] =	ssyncset.done $0x0  }
0xa6: {  	s25 =	simm.s32 $0x1B8E;
	s24 =	sld [smem:$0x3FFE];
	[sflag:s23] =	ssyncadd.s32 $0xFFFFFFFF  }
0xa7: {  	s26 =	simm.s32 $execute0_lowered;
	[smem:$0x3FD2] =	sst s25  }
0xa8: {  	s7 =	sshll.u32 s26, $0x1;
	_ =	strace $0x80000046;
	[dreg:$0x1] =	wrdreg $0xFFFFFFFF  }
0xa9: {  	s28 =	simm.s32 $_size_execute0_lowered;
	s5 =	sadd.s32 s5, s7;
	[dreg:$0x0] =	wrdreg $0x0  }
0xaa: {  	s7 =	sshll.u32 s28, $0x1;
	[dreg:$0x2] =	wrdreg s5  }
0xab: {  	[dreg:$0x3] =	wrdreg s7  }
0xac: {  	[dreg:$0x4] =	wrdreg $0xC0  }
0xad: {  	_ =	task [dreg:s9], $0x5FFFF  }
0xae: {  	[dreg:$0x1] =	wrdreg $0xFFFFFFFF  }
0xaf: {  	[dreg:$0x0] =	wrdreg $0x60  }
0xb0: {  	[dreg:$0x2] =	wrdreg s24  }
0xb1: {  	[dreg:$0x3] =	wrdreg s2  }
0xb2: {  	[dreg:$0x4] =	wrdreg s18  }
0xb3: {  	[dreg:$0x5] =	wrdreg s4  }
0xb4: {  	[dreg:$0x6] =	wrdreg $0x9  }
0xb5: {  	_ =	task.clear_ibuf [dreg:s9], $0x7FFFF;
	_ =	strace $0x90000046  }
0xb6: {  	s29 =	simm.s32 $0x9;
	_ =	strace $0x80000048  }
0xb7: {  	_ =	swait.ge [sflag:s29], $0x1  }
0xb8: {  	[sflag:s29] =	ssyncadd.s32 $0xFFFFFFFF  }
0xb9: {  	_ =	strace $0x90000048  }
0xba: {  	_ =	sfence  }
0xbb: {  	s30 =	sld [smem:$0x0];
	_ =	sdelay $0x2  }
0xbc: {  	s31 =	sshll.u32 s1, $0xD;
	s1 =	sshrl.u32 s1, $0x2  }
0xbd: {  	s3 =	sand.u32 $0x4000, s31;
	s1 =	sadd.s32 s1, s30  }
0xbe: {  	s0 =	sor.u32 s3, s0;
	s1 =	sshll.u32 s1, $0x11  }
0xbf: {  	s0 =	sor.u32 s1, s0  }
0xc0: {  	s0 =	sadd.s32 $0x8F2B, s0  }
0xc1: {  	[sflag:s0] =	ssyncadd.remote.s32 $0x1  }
0xc2: {  	_ =	sfence.sel $0xFFFF  }
0xc3: {  	[dreg:$0x0] =	wrdreg $0xFFFFFFFF;
	(pc) =	sbr.abs _section_cstart, $3  }
0xc4: {  	[dreg:$0x1] =	wrdreg $0xFFFFFFFF  }
0xc5: {  	_ =	task.clear_ibuf [dreg:s9], $0x2FFFF;
	_ =	strace $0x9FFFFFFF  }
0xc6: {  	(tm) =	ssettm $0x7FFFFFFF  }
0xc7: {  	_ =	shalt  }
tec
execute0_lowered:
.L_overlay_start_1:
0x0: {  	(tag) =	ssettag $0x1  }
0x1: {  	s1 =	rddreg [dreg:$0x0]  }
0x2: {  	s7 =	rddreg [dreg:$0x1]  }
0x3: {  	s8 =	rddreg [dreg:$0x2]  }
0x4: {  	s9 =	rddreg [dreg:$0x3]  }
0x5: {  	s0 =	rddreg [dreg:$0x4];
	s2 =	simm.s32 $0x0;
	s6 =	srdreg.scid  }
0x6: {  	s3 =	stileid.u32;
	s14 =	simm.s32 $0x4400;
	s15 =	simm.s32 $0x1  }
0x7: {  	s16 =	simm.s32 $0x8800;
	s17 =	simm.s32 $0x0;
	[smem:$0x7FF] =	sst s2  }
0x8: {  	s4 =	sadd.s32 $0x1312E00, s1;
	s5 =	sadd.s32 $0xF42400, s1;
	s6 =	sand.u32 $0x1, s6  }
0x9: {  	s11 =	sshll.u32 s3, $0x7;
	_ =	strace $0x80000047;
	s10 =	ssub.s32 $0x2, s6  }
0xa: {  	s12 =	sshll.u32 s6, $0x6;
	s6 =	sadd.s32 $0x1EA00, s1;
	s13 =	sshrl.u32 s10, $0x1  }
0xb: {  	s11 =	sor.u32 s12, s11;
	s12 =	simm.s32 $0x200;
	s10 =	ssub.s32 s10, s13  }
0xc: {  	v0 =	vlaneseq.u32;
	s7 =	sadd.s32 s7, s11;
	s8 =	sadd.s32 s8, s11;
	s9 =	sadd.s32 s9, s11  }
0xd: {  	v0 =	vmul.u32 $0x20, v0;
	s11 =	simm.s32 $0x2;
	s13 =	simm.s32 $0x400;
	s10 =	smax.u32 s10, $0x1  }
.LBB2_1:
0xe: {  	[tilespmem:s2], [sflag:$0x2] =	stream.linear.gather [hbm4b:s7+s2], $0x200, $0x38;
	[tilespmem:$0x8A00] =	vst v63  }
0xf: {  	_ =	swait.ge [sflag:s11], $0x200  }
0x10: {  	[sflag:s11] =	ssyncset.done $0x0  }
0x11: {  	[sflag:s11] =	ssyncadd.s32 $0xFFFFFE00  }
0x12: {  	[tilespmem:s12], [sflag:$0x2] =	stream.linear.gather [hbm4b:s8+s2], $0x200, $0x38;
	[tilespmem:$0x8A00] =	vst v63  }
0x13: {  	_ =	swait.ge [sflag:s11], $0x200  }
0x14: {  	[sflag:s11] =	ssyncset.done $0x0  }
0x15: {  	[sflag:s11] =	ssyncadd.s32 $0xFFFFFE00  }
0x16: {  	[tilespmem:s13], [sflag:$0x1] =	stream.indirect.gather [hbm4b:s4+s12], $0x20, s2, s12, $0xb8;
	[tilespmem:$0x8A00] =	vst v63  }
0x17: {  	_ = 	snop  }
0x18: {  	[tilespmem:s14], [sflag:$0x1] =	stream.indirect.gather [hbm4b:s5+s12], $0x20, s12, s12, $0xb8;
	[tilespmem:$0x8A00] =	vst v63  }
0x19: {  	s18 =	simm.s32 $0x8400  }
0x1a: {  	[tilespmem:s18], [sflag:$0x1] =	stream.indirect.gather [hbm4b:s6+s12], $0x1, s2, s12, $0xb8;
	[tilespmem:$0x8A00] =	vst v63  }
0x1b: {  	s19 =	simm.s32 $0x8600  }
0x1c: {  	[tilespmem:s19], [sflag:$0x1] =	stream.indirect.gather [hbm4b:s1+s12], $0x1, s12, s12, $0xb8;
	[tilespmem:$0x8A00] =	vst v63  }
0x1d: {  	_ =	swait.ge [sflag:s15], $0x4000  }
0x1e: {  	[sflag:s15] =	ssyncset.done $0x0  }
0x1f: {  	[sflag:s15] =	ssyncadd.s32 $0xFFFFC000  }
0x20: {  	_ =	swait.ge [sflag:s15], $0x4000  }
0x21: {  	[sflag:s15] =	ssyncset.done $0x0  }
0x22: {  	[sflag:s15] =	ssyncadd.s32 $0xFFFFC000  }
0x23: {  	v1 =	vmov s2;
	_ =	swait.ge [sflag:s15], $0x200  }
0x24: {  	v1 =	vshll.u32 v1, $0x5;
	[sflag:s15] =	ssyncset.done $0x0  }
0x25: {  	v1 =	vor.u32 v0, v1;
	[sflag:s15] =	ssyncadd.s32 $0xFFFFFE00  }
0x26: {  	_ =	swait.ge [sflag:s15], $0x200  }
0x27: {  	[sflag:s15] =	ssyncset.done $0x0  }
0x28: {  	v2 =	vor.u32 $0x1, v1;
	[sflag:s15] =	ssyncadd.s32 $0xFFFFFE00  }
0x29: {  	v3 =	vld [tilespmem:s19+$0x0]  }
0x2a: {  	v4 =	vor.u32 $0x2, v1;
	v5 =	vld.idx.msk [tilespmem:v1+s13+$0x0], $0xffff  }
0x2b: {  	v6 =	vld.idx.msk [tilespmem:v1+s14+$0x0], $0xffff  }
0x2c: {  	v7 =	vor.u32 $0x3, v1;
	v8 =	vld [tilespmem:s18+$0x0]  }
0x2d: {  	v9 =	vld.idx.msk [tilespmem:v2+s13+$0x0], $0xffff  }
0x2e: {  	v10 =	vor.u32 $0x4, v1;
	v2 =	vld.idx.msk [tilespmem:v2+s14+$0x0], $0xffff  }
0x2f: {  	v11 =	vld.idx.msk [tilespmem:v4+s13+$0x0], $0xffff  }
0x30: {  	v12 =	vor.u32 $0x5, v1;
	v4 =	vld.idx.msk [tilespmem:v4+s14+$0x0], $0xffff  }
0x31: {  	v13 =	vld.idx.msk [tilespmem:v7+s13+$0x0], $0xffff;
	v3 =	vadd.f32 v3, v8;
	v5 =	vmul.f32 v6, v5  }
0x32: {  	v6 =	vld.idx.msk [tilespmem:v7+s14+$0x0], $0xffff;
	v7 =	vor.u32 $0x6, v1  }
0x33: {  	v20 =	vld.idx.msk [tilespmem:v10+s13+$0x0], $0xffff;
	v2 =	vmul.f32 v2, v9;
	v3 =	vadd.f32 v5, v3  }
0x34: {  	v21 =	vor.u32 $0x7, v1;
	v5 =	vld.idx.msk [tilespmem:v10+s14+$0x0], $0xffff  }
0x35: {  	v22 =	vld.idx.msk [tilespmem:v12+s13+$0x0], $0xffff;
	v2 =	vadd.f32 v2, v3;
	v3 =	vmul.f32 v4, v11  }
0x36: {  	v23 =	vor.u32 $0x8, v1;
	v4 =	vld.idx.msk [tilespmem:v12+s14+$0x0], $0xffff  }
0x37: {  	v24 =	vld.idx.msk [tilespmem:v7+s13+$0x0], $0xffff;
	v2 =	vadd.f32 v3, v2;
	v3 =	vmul.f32 v6, v13  }
0x38: {  	v6 =	vld.idx.msk [tilespmem:v7+s14+$0x0], $0xffff;
	v7 =	vor.u32 $0x9, v1  }
0x39: {  	v25 =	vld.idx.msk [tilespmem:v21+s13+$0x0], $0xffff;
	v2 =	vadd.f32 v3, v2;
	v3 =	vmul.f32 v5, v20  }
0x3a: {  	v26 =	vor.u32 $0xA, v1;
	v5 =	vld.idx.msk [tilespmem:v21+s14+$0x0], $0xffff  }
0x3b: {  	v27 =	vld.idx.msk [tilespmem:v23+s13+$0x0], $0xffff;
	v2 =	vadd.f32 v3, v2;
	v3 =	vmul.f32 v4, v22  }
0x3c: {  	v28 =	vor.u32 $0xB, v1;
	v4 =	vld.idx.msk [tilespmem:v23+s14+$0x0], $0xffff  }
0x3d: {  	v29 =	vld.idx.msk [tilespmem:v7+s13+$0x0], $0xffff;
	v2 =	vadd.f32 v3, v2;
	v3 =	vmul.f32 v6, v24  }
0x3e: {  	v6 =	vld.idx.msk [tilespmem:v7+s14+$0x0], $0xffff;
	v7 =	vor.u32 $0xC, v1  }
0x3f: {  	v30 =	vld.idx.msk [tilespmem:v26+s13+$0x0], $0xffff;
	v2 =	vadd.f32 v3, v2;
	v3 =	vmul.f32 v5, v25  }
0x40: {  	v31 =	vor.u32 $0xD, v1;
	v5 =	vld.idx.msk [tilespmem:v26+s14+$0x0], $0xffff  }
0x41: {  	v32 =	vld.idx.msk [tilespmem:v28+s13+$0x0], $0xffff;
	v2 =	vadd.f32 v3, v2;
	v3 =	vmul.f32 v4, v27  }
0x42: {  	v33 =	vor.u32 $0xE, v1;
	v4 =	vld.idx.msk [tilespmem:v28+s14+$0x0], $0xffff  }
0x43: {  	v34 =	vld.idx.msk [tilespmem:v7+s13+$0x0], $0xffff;
	v2 =	vadd.f32 v3, v2;
	v3 =	vmul.f32 v6, v29  }
0x44: {  	v6 =	vld.idx.msk [tilespmem:v7+s14+$0x0], $0xffff;
	v7 =	vor.u32 $0xF, v1  }
0x45: {  	v35 =	vld.idx.msk [tilespmem:v31+s13+$0x0], $0xffff;
	v2 =	vadd.f32 v3, v2;
	v3 =	vmul.f32 v5, v30  }
0x46: {  	v36 =	vor.u32 $0x10, v1;
	v5 =	vld.idx.msk [tilespmem:v31+s14+$0x0], $0xffff  }
0x47: {  	v37 =	vld.idx.msk [tilespmem:v33+s13+$0x0], $0xffff;
	v2 =	vadd.f32 v3, v2;
	v3 =	vmul.f32 v4, v32  }
0x48: {  	v38 =	vor.u32 $0x11, v1;
	v4 =	vld.idx.msk [tilespmem:v33+s14+$0x0], $0xffff  }
0x49: {  	v39 =	vld.idx.msk [tilespmem:v7+s13+$0x0], $0xffff;
	v2 =	vadd.f32 v3, v2;
	v3 =	vmul.f32 v6, v34  }
0x4a: {  	v6 =	vld.idx.msk [tilespmem:v7+s14+$0x0], $0xffff;
	v7 =	vor.u32 $0x12, v1  }
0x4b: {  	v40 =	vld.idx.msk [tilespmem:v36+s13+$0x0], $0xffff;
	v2 =	vadd.f32 v3, v2;
	v3 =	vmul.f32 v5, v35  }
0x4c: {  	v41 =	vor.u32 $0x13, v1;
	v5 =	vld.idx.msk [tilespmem:v36+s14+$0x0], $0xffff  }
0x4d: {  	v42 =	vld.idx.msk [tilespmem:v38+s13+$0x0], $0xffff;
	v2 =	vadd.f32 v3, v2;
	v3 =	vmul.f32 v4, v37  }
0x4e: {  	v43 =	vor.u32 $0x14, v1;
	v4 =	vld.idx.msk [tilespmem:v38+s14+$0x0], $0xffff  }
0x4f: {  	v44 =	vld.idx.msk [tilespmem:v7+s13+$0x0], $0xffff;
	v2 =	vadd.f32 v3, v2;
	v3 =	vmul.f32 v6, v39  }
0x50: {  	v6 =	vld.idx.msk [tilespmem:v7+s14+$0x0], $0xffff;
	v7 =	vor.u32 $0x15, v1  }
0x51: {  	v45 =	vld.idx.msk [tilespmem:v41+s13+$0x0], $0xffff;
	v2 =	vadd.f32 v3, v2;
	v3 =	vmul.f32 v5, v40  }
0x52: {  	v46 =	vor.u32 $0x16, v1;
	v5 =	vld.idx.msk [tilespmem:v41+s14+$0x0], $0xffff  }
0x53: {  	v47 =	vld.idx.msk [tilespmem:v43+s13+$0x0], $0xffff;
	v2 =	vadd.f32 v3, v2;
	v3 =	vmul.f32 v4, v42  }
0x54: {  	v48 =	vor.u32 $0x17, v1;
	v4 =	vld.idx.msk [tilespmem:v43+s14+$0x0], $0xffff  }
0x55: {  	v49 =	vld.idx.msk [tilespmem:v7+s13+$0x0], $0xffff;
	v2 =	vadd.f32 v3, v2;
	v3 =	vmul.f32 v6, v44  }
0x56: {  	v6 =	vld.idx.msk [tilespmem:v7+s14+$0x0], $0xffff;
	v7 =	vor.u32 $0x18, v1  }
0x57: {  	v50 =	vld.idx.msk [tilespmem:v46+s13+$0x0], $0xffff;
	v2 =	vadd.f32 v3, v2;
	v3 =	vmul.f32 v5, v45  }
0x58: {  	v51 =	vor.u32 $0x19, v1;
	v5 =	vld.idx.msk [tilespmem:v46+s14+$0x0], $0xffff  }
0x59: {  	v52 =	vld.idx.msk [tilespmem:v48+s13+$0x0], $0xffff;
	v2 =	vadd.f32 v3, v2;
	v3 =	vmul.f32 v4, v47  }
0x5a: {  	v53 =	vor.u32 $0x1A, v1;
	v4 =	vld.idx.msk [tilespmem:v48+s14+$0x0], $0xffff  }
0x5b: {  	v54 =	vld.idx.msk [tilespmem:v7+s13+$0x0], $0xffff;
	v2 =	vadd.f32 v3, v2;
	v3 =	vmul.f32 v6, v49  }
0x5c: {  	v6 =	vld.idx.msk [tilespmem:v7+s14+$0x0], $0xffff;
	v7 =	vor.u32 $0x1B, v1  }
0x5d: {  	v55 =	vld.idx.msk [tilespmem:v51+s13+$0x0], $0xffff;
	v2 =	vadd.f32 v3, v2;
	v3 =	vmul.f32 v5, v50  }
0x5e: {  	v56 =	vor.u32 $0x1C, v1;
	v5 =	vld.idx.msk [tilespmem:v51+s14+$0x0], $0xffff  }
0x5f: {  	v57 =	vld.idx.msk [tilespmem:v53+s13+$0x0], $0xffff;
	v2 =	vadd.f32 v3, v2;
	v3 =	vmul.f32 v4, v52  }
0x60: {  	v58 =	vor.u32 $0x1D, v1;
	v4 =	vld.idx.msk [tilespmem:v53+s14+$0x0], $0xffff  }
0x61: {  	v59 =	vld.idx.msk [tilespmem:v7+s13+$0x0], $0xffff;
	v2 =	vadd.f32 v3, v2;
	v3 =	vmul.f32 v6, v54  }
0x62: {  	v6 =	vld.idx.msk [tilespmem:v7+s14+$0x0], $0xffff;
	v7 =	vor.u32 $0x1E, v1  }
0x63: {  	v60 =	vld.idx.msk [tilespmem:v56+s13+$0x0], $0xffff;
	v2 =	vadd.f32 v3, v2;
	v3 =	vmul.f32 v5, v55  }
0x64: {  	v1 =	vor.u32 $0x1F, v1;
	v5 =	vld.idx.msk [tilespmem:v56+s14+$0x0], $0xffff  }
0x65: {  	v61 =	vld.idx.msk [tilespmem:v58+s13+$0x0], $0xffff;
	v2 =	vadd.f32 v3, v2;
	v3 =	vmul.f32 v4, v57  }
0x66: {  	v4 =	vld.idx.msk [tilespmem:v58+s14+$0x0], $0xffff  }
0x67: {  	v62 =	vld.idx.msk [tilespmem:v7+s13+$0x0], $0xffff;
	v2 =	vadd.f32 v3, v2;
	v3 =	vmul.f32 v6, v59  }
0x68: {  	v6 =	vld.idx.msk [tilespmem:v7+s14+$0x0], $0xffff  }
0x69: {  	v7 =	vld.idx.msk [tilespmem:v1+s13+$0x0], $0xffff;
	v2 =	vadd.f32 v3, v2;
	v3 =	vmul.f32 v5, v60  }
0x6a: {  	v1 =	vld.idx.msk [tilespmem:v1+s14+$0x0], $0xffff  }
0x6b: {  	v2 =	vadd.f32 v3, v2;
	v3 =	vmul.f32 v4, v61;
	_ =	sdelay $0x1  }
0x6c: {  	s31 =	simm.s32 $0x10;
	v2 =	vadd.f32 v3, v2;
	v3 =	vmul.f32 v6, v62  }
0x6d: {  	v4 =	vmov s31  }
0x6e: {  	v4 =	vshll.u32 v4, $0x5;
	v2 =	vadd.f32 v3, v2;
	v3 =	vmul.f32 v1, v7  }
0x6f: {  	v1 =	vor.u32 v0, v4  }
0x70: {  	v2 =	vadd.f32 v3, v2;
	_ =	sdelay $0x1  }
0x71: {  	s18 =	simm.s32 $0x8610;
	v3 =	vor.u32 $0x1, v1;
	[tilespmem:s16+$0x0] =	vst v2  }
0x72: {  	v2 =	vld [tilespmem:s18+$0x0]  }
0x73: {  	v4 =	vor.u32 $0x2, v1;
	v5 =	vld.idx.msk [tilespmem:v1+s13+$0x0], $0xffff  }
0x74: {  	s19 =	simm.s32 $0x8410;
	v6 =	vld.idx.msk [tilespmem:v1+s14+$0x0], $0xffff  }
0x75: {  	v7 =	vor.u32 $0x3, v1;
	v63 =	vld [tilespmem:s19+$0x0]  }
0x76: {  	v16 =	vld.idx.msk [tilespmem:v3+s13+$0x0], $0xffff  }
0x77: {  	v17 =	vor.u32 $0x4, v1;
	v3 =	vld.idx.msk [tilespmem:v3+s14+$0x0], $0xffff  }
0x78: {  	v18 =	vld.idx.msk [tilespmem:v4+s13+$0x0], $0xffff  }
0x79: {  	v19 =	vor.u32 $0x5, v1;
	v4 =	vld.idx.msk [tilespmem:v4+s14+$0x0], $0xffff  }
0x7a: {  	v20 =	vld.idx.msk [tilespmem:v7+s13+$0x0], $0xffff;
	v2 =	vadd.f32 v2, v63;
	v5 =	vmul.f32 v6, v5  }
0x7b: {  	v6 =	vld.idx.msk [tilespmem:v7+s14+$0x0], $0xffff;
	v7 =	vor.u32 $0x6, v1  }
0x7c: {  	v21 =	vld.idx.msk [tilespmem:v17+s13+$0x0], $0xffff;
	v2 =	vadd.f32 v5, v2;
	v3 =	vmul.f32 v3, v16  }
0x7d: {  	v22 =	vor.u32 $0x7, v1;
	v5 =	vld.idx.msk [tilespmem:v17+s14+$0x0], $0xffff  }
0x7e: {  	v23 =	vld.idx.msk [tilespmem:v19+s13+$0x0], $0xffff;
	v2 =	vadd.f32 v3, v2;
	v3 =	vmul.f32 v4, v18  }
0x7f: {  	v24 =	vor.u32 $0x8, v1;
	v4 =	vld.idx.msk [tilespmem:v19+s14+$0x0], $0xffff  }
0x80: {  	v25 =	vld.idx.msk [tilespmem:v7+s13+$0x0], $0xffff;
	v2 =	vadd.f32 v3, v2;
	v3 =	vmul.f32 v6, v20  }
0x81: {  	v6 =	vld.idx.msk [tilespmem:v7+s14+$0x0], $0xffff;
	v7 =	vor.u32 $0x9, v1  }
0x82: {  	v26 =	vld.idx.msk [tilespmem:v22+s13+$0x0], $0xffff;
	v2 =	vadd.f32 v3, v2;
	v3 =	vmul.f32 v5, v21  }
0x83: {  	v27 =	vor.u32 $0xA, v1;
	v5 =	vld.idx.msk [tilespmem:v22+s14+$0x0], $0xffff  }
0x84: {  	v28 =	vld.idx.msk [tilespmem:v24+s13+$0x0], $0xffff;
	v2 =	vadd.f32 v3, v2;
	v3 =	vmul.f32 v4, v23  }
0x85: {  	v29 =	vor.u32 $0xB, v1;
	v4 =	vld.idx.msk [tilespmem:v24+s14+$0x0], $0xffff  }
0x86: {  	v30 =	vld.idx.msk [tilespmem:v7+s13+$0x0], $0xffff;
	v2 =	vadd.f32 v3, v2;
	v3 =	vmul.f32 v6, v25  }
0x87: {  	v6 =	vld.idx.msk [tilespmem:v7+s14+$0x0], $0xffff;
	v7 =	vor.u32 $0xC, v1  }
0x88: {  	v31 =	vld.idx.msk [tilespmem:v27+s13+$0x0], $0xffff;
	v2 =	vadd.f32 v3, v2;
	v3 =	vmul.f32 v5, v26  }
0x89: {  	v32 =	vor.u32 $0xD, v1;
	v5 =	vld.idx.msk [tilespmem:v27+s14+$0x0], $0xffff  }
0x8a: {  	v33 =	vld.idx.msk [tilespmem:v29+s13+$0x0], $0xffff;
	v2 =	vadd.f32 v3, v2;
	v3 =	vmul.f32 v4, v28  }
0x8b: {  	v34 =	vor.u32 $0xE, v1;
	v4 =	vld.idx.msk [tilespmem:v29+s14+$0x0], $0xffff  }
0x8c: {  	v35 =	vld.idx.msk [tilespmem:v7+s13+$0x0], $0xffff;
	v2 =	vadd.f32 v3, v2;
	v3 =	vmul.f32 v6, v30  }
0x8d: {  	v6 =	vld.idx.msk [tilespmem:v7+s14+$0x0], $0xffff;
	v7 =	vor.u32 $0xF, v1  }
0x8e: {  	v36 =	vld.idx.msk [tilespmem:v32+s13+$0x0], $0xffff;
	v2 =	vadd.f32 v3, v2;
	v3 =	vmul.f32 v5, v31  }
0x8f: {  	v37 =	vor.u32 $0x10, v1;
	v5 =	vld.idx.msk [tilespmem:v32+s14+$0x0], $0xffff  }
0x90: {  	v38 =	vld.idx.msk [tilespmem:v34+s13+$0x0], $0xffff;
	v2 =	vadd.f32 v3, v2;
	v3 =	vmul.f32 v4, v33  }
0x91: {  	v39 =	vor.u32 $0x11, v1;
	v4 =	vld.idx.msk [tilespmem:v34+s14+$0x0], $0xffff  }
0x92: {  	v40 =	vld.idx.msk [tilespmem:v7+s13+$0x0], $0xffff;
	v2 =	vadd.f32 v3, v2;
	v3 =	vmul.f32 v6, v35  }
0x93: {  	v6 =	vld.idx.msk [tilespmem:v7+s14+$0x0], $0xffff;
	v7 =	vor.u32 $0x12, v1  }
0x94: {  	v41 =	vld.idx.msk [tilespmem:v37+s13+$0x0], $0xffff;
	v2 =	vadd.f32 v3, v2;
	v3 =	vmul.f32 v5, v36  }
0x95: {  	v42 =	vor.u32 $0x13, v1;
	v5 =	vld.idx.msk [tilespmem:v37+s14+$0x0], $0xffff  }
0x96: {  	v43 =	vld.idx.msk [tilespmem:v39+s13+$0x0], $0xffff;
	v2 =	vadd.f32 v3, v2;
	v3 =	vmul.f32 v4, v38  }
0x97: {  	v44 =	vor.u32 $0x14, v1;
	v4 =	vld.idx.msk [tilespmem:v39+s14+$0x0], $0xffff  }
0x98: {  	v45 =	vld.idx.msk [tilespmem:v7+s13+$0x0], $0xffff;
	v2 =	vadd.f32 v3, v2;
	v3 =	vmul.f32 v6, v40  }
0x99: {  	v6 =	vld.idx.msk [tilespmem:v7+s14+$0x0], $0xffff;
	v7 =	vor.u32 $0x15, v1  }
0x9a: {  	v46 =	vld.idx.msk [tilespmem:v42+s13+$0x0], $0xffff;
	v2 =	vadd.f32 v3, v2;
	v3 =	vmul.f32 v5, v41  }
0x9b: {  	v47 =	vor.u32 $0x16, v1;
	v5 =	vld.idx.msk [tilespmem:v42+s14+$0x0], $0xffff  }
0x9c: {  	v48 =	vld.idx.msk [tilespmem:v44+s13+$0x0], $0xffff;
	v2 =	vadd.f32 v3, v2;
	v3 =	vmul.f32 v4, v43  }
0x9d: {  	v49 =	vor.u32 $0x17, v1;
	v4 =	vld.idx.msk [tilespmem:v44+s14+$0x0], $0xffff  }
0x9e: {  	v50 =	vld.idx.msk [tilespmem:v7+s13+$0x0], $0xffff;
	v2 =	vadd.f32 v3, v2;
	v3 =	vmul.f32 v6, v45  }
0x9f: {  	v6 =	vld.idx.msk [tilespmem:v7+s14+$0x0], $0xffff;
	v7 =	vor.u32 $0x18, v1  }
0xa0: {  	v51 =	vld.idx.msk [tilespmem:v47+s13+$0x0], $0xffff;
	v2 =	vadd.f32 v3, v2;
	v3 =	vmul.f32 v5, v46  }
0xa1: {  	v52 =	vor.u32 $0x19, v1;
	v5 =	vld.idx.msk [tilespmem:v47+s14+$0x0], $0xffff  }
0xa2: {  	v53 =	vld.idx.msk [tilespmem:v49+s13+$0x0], $0xffff;
	v2 =	vadd.f32 v3, v2;
	v3 =	vmul.f32 v4, v48  }
0xa3: {  	v54 =	vor.u32 $0x1A, v1;
	v4 =	vld.idx.msk [tilespmem:v49+s14+$0x0], $0xffff  }
0xa4: {  	v55 =	vld.idx.msk [tilespmem:v7+s13+$0x0], $0xffff;
	v2 =	vadd.f32 v3, v2;
	v3 =	vmul.f32 v6, v50  }
0xa5: {  	v6 =	vld.idx.msk [tilespmem:v7+s14+$0x0], $0xffff;
	v7 =	vor.u32 $0x1B, v1  }
0xa6: {  	v56 =	vld.idx.msk [tilespmem:v52+s13+$0x0], $0xffff;
	v2 =	vadd.f32 v3, v2;
	v3 =	vmul.f32 v5, v51  }
0xa7: {  	v57 =	vor.u32 $0x1C, v1;
	v5 =	vld.idx.msk [tilespmem:v52+s14+$0x0], $0xffff  }
0xa8: {  	v58 =	vld.idx.msk [tilespmem:v54+s13+$0x0], $0xffff;
	v2 =	vadd.f32 v3, v2;
	v3 =	vmul.f32 v4, v53  }
0xa9: {  	v59 =	vor.u32 $0x1D, v1;
	v4 =	vld.idx.msk [tilespmem:v54+s14+$0x0], $0xffff  }
0xaa: {  	v60 =	vld.idx.msk [tilespmem:v7+s13+$0x0], $0xffff;
	v2 =	vadd.f32 v3, v2;
	v3 =	vmul.f32 v6, v55  }
0xab: {  	v6 =	vld.idx.msk [tilespmem:v7+s14+$0x0], $0xffff;
	v7 =	vor.u32 $0x1E, v1  }
0xac: {  	v61 =	vld.idx.msk [tilespmem:v57+s13+$0x0], $0xffff;
	v2 =	vadd.f32 v3, v2;
	v3 =	vmul.f32 v5, v56  }
0xad: {  	v1 =	vor.u32 $0x1F, v1;
	v5 =	vld.idx.msk [tilespmem:v57+s14+$0x0], $0xffff  }
0xae: {  	v62 =	vld.idx.msk [tilespmem:v59+s13+$0x0], $0xffff;
	v2 =	vadd.f32 v3, v2;
	v3 =	vmul.f32 v4, v58  }
0xaf: {  	v4 =	vld.idx.msk [tilespmem:v59+s14+$0x0], $0xffff  }
0xb0: {  	v63 =	vld.idx.msk [tilespmem:v7+s13+$0x0], $0xffff;
	v2 =	vadd.f32 v3, v2;
	v3 =	vmul.f32 v6, v60  }
0xb1: {  	v6 =	vld.idx.msk [tilespmem:v7+s14+$0x0], $0xffff  }
0xb2: {  	v7 =	vld.idx.msk [tilespmem:v1+s13+$0x0], $0xffff;
	v2 =	vadd.f32 v3, v2;
	v3 =	vmul.f32 v5, v61  }
0xb3: {  	v5 =	vld.idx.msk [tilespmem:v1+s14+$0x0], $0xffff  }
0xb4: {  	s20 =	simm.s32 $0x20;
	v1 =	vadd.f32 v3, v2;
	v2 =	vmul.f32 v4, v62  }
0xb5: {  	v3 =	vmov s20  }
0xb6: {  	v3 =	vshll.u32 v3, $0x5;
	v6 =	vmul.f32 v6, v63;
	v4 =	vadd.f32 v2, v1  }
0xb7: {  	v1 =	vor.u32 v0, v3  }
0xb8: {  	v2 =	vor.u32 $0x1, v1;
	v3 =	vadd.f32 v6, v4;
	v4 =	vmul.f32 v5, v7  }
0xb9: {  	s21 =	simm.s32 $0x30;
	s20 =	simm.s32 $0x8800  }
.LBB2_2:
0xba: {  	p0 =	sne.s32 s21, $0x1F0;
	v3 =	vadd.f32 v4, v3  }
0xbb: {  	s20 =	sadd.s32 $0x10, s20  }
0xbc: {  	[tilespmem:s20+$0x0] =	vst v3  }
0xbd: {  	s18 =	sadd.s32 $0x10, s18;
	v3 =	vld.idx.msk [tilespmem:v2+s13+$0x0], $0xffff  }
0xbe: {  	v5 =	vor.u32 $0x2, v1;
	v4 =	vld [tilespmem:s18+$0x0]  }
0xbf: {  	v6 =	vld.idx.msk [tilespmem:v1+s13+$0x0], $0xffff  }
0xc0: {  	v8 =	vor.u32 $0x3, v1;
	s19 =	sadd.s32 $0x10, s19;
	v7 =	vld.idx.msk [tilespmem:v1+s14+$0x0], $0xffff  }
0xc1: {  	v9 =	vld [tilespmem:s19+$0x0]  }
0xc2: {  	v10 =	vor.u32 $0x4, v1;
	v2 =	vld.idx.msk [tilespmem:v2+s14+$0x0], $0xffff  }
0xc3: {  	v11 =	vld.idx.msk [tilespmem:v5+s13+$0x0], $0xffff  }
0xc4: {  	v12 =	vor.u32 $0x5, v1;
	v5 =	vld.idx.msk [tilespmem:v5+s14+$0x0], $0xffff  }
0xc5: {  	v13 =	vld.idx.msk [tilespmem:v8+s13+$0x0], $0xffff  }
0xc6: {  	v6 =	vmul.f32 v7, v6;
	v4 =	vadd.f32 v4, v9;
	v7 =	vld.idx.msk [tilespmem:v8+s14+$0x0], $0xffff;
	v8 =	vor.u32 $0x6, v1  }
0xc7: {  	v9 =	vld.idx.msk [tilespmem:v10+s13+$0x0], $0xffff  }
0xc8: {  	v2 =	vmul.f32 v2, v3;
	v4 =	vadd.f32 v6, v4;
	v3 =	vld.idx.msk [tilespmem:v10+s14+$0x0], $0xffff;
	v6 =	vor.u32 $0x7, v1  }
0xc9: {  	v10 =	vld.idx.msk [tilespmem:v12+s13+$0x0], $0xffff  }
0xca: {  	v2 =	vadd.f32 v2, v4;
	v4 =	vmul.f32 v5, v11;
	v5 =	vld.idx.msk [tilespmem:v12+s14+$0x0], $0xffff;
	v11 =	vor.u32 $0x8, v1  }
0xcb: {  	v12 =	vld.idx.msk [tilespmem:v8+s13+$0x0], $0xffff  }
0xcc: {  	v2 =	vadd.f32 v4, v2;
	v4 =	vmul.f32 v7, v13;
	v7 =	vld.idx.msk [tilespmem:v8+s14+$0x0], $0xffff;
	v8 =	vor.u32 $0x9, v1  }
0xcd: {  	v13 =	vld.idx.msk [tilespmem:v6+s13+$0x0], $0xffff  }
0xce: {  	v3 =	vmul.f32 v3, v9;
	v2 =	vadd.f32 v4, v2;
	v4 =	vld.idx.msk [tilespmem:v6+s14+$0x0], $0xffff;
	v6 =	vor.u32 $0xA, v1  }
0xcf: {  	v9 =	vld.idx.msk [tilespmem:v11+s13+$0x0], $0xffff  }
0xd0: {  	v2 =	vadd.f32 v3, v2;
	v3 =	vmul.f32 v5, v10;
	v5 =	vld.idx.msk [tilespmem:v11+s14+$0x0], $0xffff;
	v10 =	vor.u32 $0xB, v1  }
0xd1: {  	v11 =	vld.idx.msk [tilespmem:v8+s13+$0x0], $0xffff  }
0xd2: {  	v2 =	vadd.f32 v3, v2;
	v3 =	vmul.f32 v7, v12;
	v7 =	vld.idx.msk [tilespmem:v8+s14+$0x0], $0xffff;
	v8 =	vor.u32 $0xC, v1  }
0xd3: {  	v12 =	vld.idx.msk [tilespmem:v6+s13+$0x0], $0xffff  }
0xd4: {  	v2 =	vadd.f32 v3, v2;
	v3 =	vmul.f32 v4, v13;
	v4 =	vld.idx.msk [tilespmem:v6+s14+$0x0], $0xffff;
	v6 =	vor.u32 $0xD, v1  }
0xd5: {  	v13 =	vld.idx.msk [tilespmem:v10+s13+$0x0], $0xffff  }
0xd6: {  	v2 =	vadd.f32 v3, v2;
	v3 =	vmul.f32 v5, v9;
	v5 =	vld.idx.msk [tilespmem:v10+s14+$0x0], $0xffff;
	v9 =	vor.u32 $0xE, v1  }
0xd7: {  	v10 =	vld.idx.msk [tilespmem:v8+s13+$0x0], $0xffff  }
0xd8: {  	v2 =	vadd.f32 v3, v2;
	v3 =	vmul.f32 v7, v11;
	v7 =	vld.idx.msk [tilespmem:v8+s14+$0x0], $0xffff;
	v8 =	vor.u32 $0xF, v1  }
0xd9: {  	v11 =	vld.idx.msk [tilespmem:v6+s13+$0x0], $0xffff  }
0xda: {  	v2 =	vadd.f32 v3, v2;
	v3 =	vmul.f32 v4, v12;
	v4 =	vld.idx.msk [tilespmem:v6+s14+$0x0], $0xffff;
	v6 =	vor.u32 $0x10, v1  }
0xdb: {  	v12 =	vld.idx.msk [tilespmem:v9+s13+$0x0], $0xffff  }
0xdc: {  	v2 =	vadd.f32 v3, v2;
	v3 =	vmul.f32 v5, v13;
	v5 =	vld.idx.msk [tilespmem:v9+s14+$0x0], $0xffff;
	v9 =	vor.u32 $0x11, v1  }
0xdd: {  	v13 =	vld.idx.msk [tilespmem:v8+s13+$0x0], $0xffff  }
0xde: {  	v2 =	vadd.f32 v3, v2;
	v3 =	vmul.f32 v7, v10;
	v7 =	vld.idx.msk [tilespmem:v8+s14+$0x0], $0xffff;
	v8 =	vor.u32 $0x12, v1  }
0xdf: {  	v10 =	vld.idx.msk [tilespmem:v6+s13+$0x0], $0xffff  }
0xe0: {  	v2 =	vadd.f32 v3, v2;
	v3 =	vmul.f32 v4, v11;
	v4 =	vld.idx.msk [tilespmem:v6+s14+$0x0], $0xffff;
	v6 =	vor.u32 $0x13, v1  }
0xe1: {  	v11 =	vld.idx.msk [tilespmem:v9+s13+$0x0], $0xffff  }
0xe2: {  	v2 =	vadd.f32 v3, v2;
	v3 =	vmul.f32 v5, v12;
	v5 =	vld.idx.msk [tilespmem:v9+s14+$0x0], $0xffff;
	v9 =	vor.u32 $0x14, v1  }
0xe3: {  	v12 =	vld.idx.msk [tilespmem:v8+s13+$0x0], $0xffff  }
0xe4: {  	v2 =	vadd.f32 v3, v2;
	v3 =	vmul.f32 v7, v13;
	v7 =	vld.idx.msk [tilespmem:v8+s14+$0x0], $0xffff;
	v8 =	vor.u32 $0x15, v1  }
0xe5: {  	v13 =	vld.idx.msk [tilespmem:v6+s13+$0x0], $0xffff  }
0xe6: {  	v2 =	vadd.f32 v3, v2;
	v3 =	vmul.f32 v4, v10;
	v4 =	vld.idx.msk [tilespmem:v6+s14+$0x0], $0xffff;
	v6 =	vor.u32 $0x16, v1  }
0xe7: {  	v10 =	vld.idx.msk [tilespmem:v9+s13+$0x0], $0xffff  }
0xe8: {  	v2 =	vadd.f32 v3, v2;
	v3 =	vmul.f32 v5, v11;
	v5 =	vld.idx.msk [tilespmem:v9+s14+$0x0], $0xffff;
	v9 =	vor.u32 $0x17, v1  }
0xe9: {  	v11 =	vld.idx.msk [tilespmem:v8+s13+$0x0], $0xffff  }
0xea: {  	v2 =	vadd.f32 v3, v2;
	v3 =	vmul.f32 v7, v12;
	v7 =	vld.idx.msk [tilespmem:v8+s14+$0x0], $0xffff;
	v8 =	vor.u32 $0x18, v1  }
0xeb: {  	v12 =	vld.idx.msk [tilespmem:v6+s13+$0x0], $0xffff  }
0xec: {  	v2 =	vadd.f32 v3, v2;
	v3 =	vmul.f32 v4, v13;
	v4 =	vld.idx.msk [tilespmem:v6+s14+$0x0], $0xffff;
	v6 =	vor.u32 $0x19, v1  }
0xed: {  	v13 =	vld.idx.msk [tilespmem:v9+s13+$0x0], $0xffff  }
0xee: {  	v2 =	vadd.f32 v3, v2;
	v3 =	vmul.f32 v5, v10;
	v5 =	vld.idx.msk [tilespmem:v9+s14+$0x0], $0xffff;
	v9 =	vor.u32 $0x1A, v1  }
0xef: {  	v10 =	vld.idx.msk [tilespmem:v8+s13+$0x0], $0xffff  }
0xf0: {  	v2 =	vadd.f32 v3, v2;
	v3 =	vmul.f32 v7, v11;
	v7 =	vld.idx.msk [tilespmem:v8+s14+$0x0], $0xffff;
	v8 =	vor.u32 $0x1B, v1  }
0xf1: {  	v11 =	vld.idx.msk [tilespmem:v6+s13+$0x0], $0xffff  }
0xf2: {  	v2 =	vadd.f32 v3, v2;
	v3 =	vmul.f32 v4, v12;
	v4 =	vld.idx.msk [tilespmem:v6+s14+$0x0], $0xffff;
	v6 =	vor.u32 $0x1C, v1  }
0xf3: {  	v12 =	vld.idx.msk [tilespmem:v9+s13+$0x0], $0xffff  }
0xf4: {  	v2 =	vadd.f32 v3, v2;
	v3 =	vmul.f32 v5, v13;
	v5 =	vld.idx.msk [tilespmem:v9+s14+$0x0], $0xffff;
	v9 =	vor.u32 $0x1D, v1  }
0xf5: {  	v13 =	vld.idx.msk [tilespmem:v8+s13+$0x0], $0xffff  }
0xf6: {  	v2 =	vadd.f32 v3, v2;
	v3 =	vmul.f32 v7, v10;
	v7 =	vld.idx.msk [tilespmem:v8+s14+$0x0], $0xffff;
	v8 =	vor.u32 $0x1E, v1  }
0xf7: {  	v10 =	vld.idx.msk [tilespmem:v6+s13+$0x0], $0xffff  }
0xf8: {  	v1 =	vor.u32 $0x1F, v1;
	v2 =	vadd.f32 v3, v2;
	v3 =	vmul.f32 v4, v11;
	v4 =	vld.idx.msk [tilespmem:v6+s14+$0x0], $0xffff  }
0xf9: {  	v6 =	vld.idx.msk [tilespmem:v9+s13+$0x0], $0xffff  }
0xfa: {  	v2 =	vadd.f32 v3, v2;
	v3 =	vmul.f32 v5, v12;
	v5 =	vld.idx.msk [tilespmem:v9+s14+$0x0], $0xffff  }
0xfb: {  	v9 =	vld.idx.msk [tilespmem:v8+s13+$0x0], $0xffff  }
0xfc: {  	v2 =	vadd.f32 v3, v2;
	v3 =	vmul.f32 v7, v13;
	v7 =	vld.idx.msk [tilespmem:v8+s14+$0x0], $0xffff  }
0xfd: {  	v8 =	vld.idx.msk [tilespmem:v1+s13+$0x0], $0xffff  }
0xfe: {  	v2 =	vadd.f32 v3, v2;
	v3 =	vmul.f32 v4, v10;
	v4 =	vld.idx.msk [tilespmem:v1+s14+$0x0], $0xffff;
	_ =	sdelay $0x1  }
0xff: {  	v1 =	vadd.f32 v3, v2;
	v2 =	vmul.f32 v5, v6  }
.Ltmp0:
0x100: {  	v3 =	vmov s21;
	(pc) =	sbr.rel @p0 .LBB2_2-.Ltmp0, $4  }
0x101: {  	v3 =	vshll.u32 v3, $0x5;
	v6 =	vmul.f32 v7, v9;
	v5 =	vadd.f32 v2, v1  }
0x102: {  	v1 =	vor.u32 v0, v3  }
0x103: {  	v2 =	vor.u32 $0x1, v1;
	v4 =	vmul.f32 v4, v8;
	v3 =	vadd.f32 v6, v5  }
0x104: {  	s21 =	sadd.s32 $0x10, s21  }
0x105: {  	v3 =	vadd.f32 v4, v3  }
0x106: {  	s20 =	sadd.s32 $0x10, s20  }
0x107: {  	s18 =	sadd.s32 $0x10, s18;
	[tilespmem:s20+$0x0] =	vst v3  }
0x108: {  	v3 =	vld [tilespmem:s18+$0x0]  }
0x109: {  	v30 =	vor.u32 $0x2, v1;
	v5 =	vld.idx.msk [tilespmem:v1+s13+$0x0], $0xffff  }
0x10a: {  	s30 =	sadd.s32 $0x10, s19;
	v6 =	vld.idx.msk [tilespmem:v1+s14+$0x0], $0xffff  }
0x10b: {  	v7 =	vor.u32 $0x3, v1;
	v8 =	vld [tilespmem:s30+$0x0]  }
0x10c: {  	v9 =	vld.idx.msk [tilespmem:v2+s13+$0x0], $0xffff  }
0x10d: {  	v10 =	vor.u32 $0x4, v1;
	v2 =	vld.idx.msk [tilespmem:v2+s14+$0x0], $0xffff  }
0x10e: {  	v11 =	vld.idx.msk [tilespmem:v30+s13+$0x0], $0xffff  }
0x10f: {  	v12 =	vor.u32 $0x5, v1;
	v4 =	vld.idx.msk [tilespmem:v30+s14+$0x0], $0xffff  }
0x110: {  	v13 =	vld.idx.msk [tilespmem:v7+s13+$0x0], $0xffff;
	v3 =	vadd.f32 v3, v8;
	v5 =	vmul.f32 v6, v5  }
0x111: {  	v32 =	vor.u32 $0x6, v1;
	v31 =	vld.idx.msk [tilespmem:v7+s14+$0x0], $0xffff  }
0x112: {  	v33 =	vld.idx.msk [tilespmem:v10+s13+$0x0], $0xffff;
	v2 =	vmul.f32 v2, v9;
	v3 =	vadd.f32 v5, v3  }
0x113: {  	v35 =	vor.u32 $0x7, v1;
	v34 =	vld.idx.msk [tilespmem:v10+s14+$0x0], $0xffff  }
0x114: {  	v36 =	vld.idx.msk [tilespmem:v12+s13+$0x0], $0xffff;
	v2 =	vadd.f32 v2, v3;
	v3 =	vmul.f32 v4, v11  }
0x115: {  	v38 =	vor.u32 $0x8, v1;
	v37 =	vld.idx.msk [tilespmem:v12+s14+$0x0], $0xffff  }
0x116: {  	v39 =	vld.idx.msk [tilespmem:v32+s13+$0x0], $0xffff;
	v2 =	vadd.f32 v3, v2;
	v3 =	vmul.f32 v31, v13  }
0x117: {  	v41 =	vor.u32 $0x9, v1;
	v40 =	vld.idx.msk [tilespmem:v32+s14+$0x0], $0xffff  }
0x118: {  	v42 =	vld.idx.msk [tilespmem:v35+s13+$0x0], $0xffff;
	v2 =	vadd.f32 v3, v2;
	v3 =	vmul.f32 v34, v33  }
0x119: {  	v44 =	vor.u32 $0xA, v1;
	v43 =	vld.idx.msk [tilespmem:v35+s14+$0x0], $0xffff  }
0x11a: {  	v45 =	vld.idx.msk [tilespmem:v38+s13+$0x0], $0xffff;
	v2 =	vadd.f32 v3, v2;
	v3 =	vmul.f32 v37, v36  }
0x11b: {  	v47 =	vor.u32 $0xB, v1;
	v46 =	vld.idx.msk [tilespmem:v38+s14+$0x0], $0xffff  }
0x11c: {  	v48 =	vld.idx.msk [tilespmem:v41+s13+$0x0], $0xffff;
	v2 =	vadd.f32 v3, v2;
	v3 =	vmul.f32 v40, v39  }
0x11d: {  	v50 =	vor.u32 $0xC, v1;
	v49 =	vld.idx.msk [tilespmem:v41+s14+$0x0], $0xffff  }
0x11e: {  	v51 =	vld.idx.msk [tilespmem:v44+s13+$0x0], $0xffff;
	v2 =	vadd.f32 v3, v2;
	v3 =	vmul.f32 v43, v42  }
0x11f: {  	v53 =	vor.u32 $0xD, v1;
	v52 =	vld.idx.msk [tilespmem:v44+s14+$0x0], $0xffff  }
0x120: {  	v54 =	vld.idx.msk [tilespmem:v47+s13+$0x0], $0xffff;
	v2 =	vadd.f32 v3, v2;
	v3 =	vmul.f32 v46, v45  }
0x121: {  	v56 =	vor.u32 $0xE, v1;
	v55 =	vld.idx.msk [tilespmem:v47+s14+$0x0], $0xffff  }
0x122: {  	v57 =	vld.idx.msk [tilespmem:v50+s13+$0x0], $0xffff;
	v2 =	vadd.f32 v3, v2;
	v3 =	vmul.f32 v49, v48  }
0x123: {  	v59 =	vor.u32 $0xF, v1;
	v58 =	vld.idx.msk [tilespmem:v50+s14+$0x0], $0xffff  }
0x124: {  	v60 =	vld.idx.msk [tilespmem:v53+s13+$0x0], $0xffff;
	v2 =	vadd.f32 v3, v2;
	v3 =	vmul.f32 v52, v51  }
0x125: {  	v62 =	vor.u32 $0x10, v1;
	v61 =	vld.idx.msk [tilespmem:v53+s14+$0x0], $0xffff  }
0x126: {  	v63 =	vld.idx.msk [tilespmem:v56+s13+$0x0], $0xffff;
	v2 =	vadd.f32 v3, v2;
	v3 =	vmul.f32 v55, v54  }
0x127: {  	v17 =	vor.u32 $0x11, v1;
	v16 =	vld.idx.msk [tilespmem:v56+s14+$0x0], $0xffff  }
0x128: {  	v18 =	vld.idx.msk [tilespmem:v59+s13+$0x0], $0xffff;
	v2 =	vadd.f32 v3, v2;
	v3 =	vmul.f32 v58, v57  }
0x129: {  	v20 =	vor.u32 $0x12, v1;
	v19 =	vld.idx.msk [tilespmem:v59+s14+$0x0], $0xffff  }
0x12a: {  	v21 =	vld.idx.msk [tilespmem:v62+s13+$0x0], $0xffff;
	v2 =	vadd.f32 v3, v2;
	v3 =	vmul.f32 v61, v60  }
0x12b: {  	v23 =	vor.u32 $0x13, v1;
	v22 =	vld.idx.msk [tilespmem:v62+s14+$0x0], $0xffff  }
0x12c: {  	v24 =	vld.idx.msk [tilespmem:v17+s13+$0x0], $0xffff;
	v2 =	vadd.f32 v3, v2;
	v3 =	vmul.f32 v16, v63  }
0x12d: {  	v26 =	vor.u32 $0x14, v1;
	v25 =	vld.idx.msk [tilespmem:v17+s14+$0x0], $0xffff  }
0x12e: {  	v27 =	vld.idx.msk [tilespmem:v20+s13+$0x0], $0xffff;
	v2 =	vadd.f32 v3, v2;
	v3 =	vmul.f32 v19, v18  }
0x12f: {  	v29 =	vor.u32 $0x15, v1;
	v28 =	vld.idx.msk [tilespmem:v20+s14+$0x0], $0xffff  }
0x130: {  	v30 =	vld.idx.msk [tilespmem:v23+s13+$0x0], $0xffff;
	v2 =	vadd.f32 v3, v2;
	v3 =	vmul.f32 v22, v21  }
0x131: {  	v32 =	vor.u32 $0x16, v1;
	v31 =	vld.idx.msk [tilespmem:v23+s14+$0x0], $0xffff  }
0x132: {  	v33 =	vld.idx.msk [tilespmem:v26+s13+$0x0], $0xffff;
	v2 =	vadd.f32 v3, v2;
	v3 =	vmul.f32 v25, v24  }
0x133: {  	v35 =	vor.u32 $0x17, v1;
	v34 =	vld.idx.msk [tilespmem:v26+s14+$0x0], $0xffff  }
0x134: {  	v36 =	vld.idx.msk [tilespmem:v29+s13+$0x0], $0xffff;
	v2 =	vadd.f32 v3, v2;
	v3 =	vmul.f32 v28, v27  }
0x135: {  	v38 =	vor.u32 $0x18, v1;
	v37 =	vld.idx.msk [tilespmem:v29+s14+$0x0], $0xffff  }
0x136: {  	v39 =	vld.idx.msk [tilespmem:v32+s13+$0x0], $0xffff;
	v2 =	vadd.f32 v3, v2;
	v3 =	vmul.f32 v31, v30  }
0x137: {  	v41 =	vor.u32 $0x19, v1;
	v40 =	vld.idx.msk [tilespmem:v32+s14+$0x0], $0xffff  }
0x138: {  	v42 =	vld.idx.msk [tilespmem:v35+s13+$0x0], $0xffff;
	v2 =	vadd.f32 v3, v2;
	v3 =	vmul.f32 v34, v33  }
0x139: {  	v44 =	vor.u32 $0x1A, v1;
	v43 =	vld.idx.msk [tilespmem:v35+s14+$0x0], $0xffff  }
0x13a: {  	v45 =	vld.idx.msk [tilespmem:v38+s13+$0x0], $0xffff;
	v2 =	vadd.f32 v3, v2;
	v3 =	vmul.f32 v37, v36  }
0x13b: {  	v47 =	vor.u32 $0x1B, v1;
	v46 =	vld.idx.msk [tilespmem:v38+s14+$0x0], $0xffff  }
0x13c: {  	v48 =	vld.idx.msk [tilespmem:v41+s13+$0x0], $0xffff;
	v2 =	vadd.f32 v3, v2;
	v3 =	vmul.f32 v40, v39  }
0x13d: {  	v50 =	vor.u32 $0x1C, v1;
	v49 =	vld.idx.msk [tilespmem:v41+s14+$0x0], $0xffff  }
0x13e: {  	v51 =	vld.idx.msk [tilespmem:v44+s13+$0x0], $0xffff;
	v2 =	vadd.f32 v3, v2;
	v3 =	vmul.f32 v43, v42  }
0x13f: {  	v53 =	vor.u32 $0x1D, v1;
	v52 =	vld.idx.msk [tilespmem:v44+s14+$0x0], $0xffff  }
0x140: {  	v54 =	vld.idx.msk [tilespmem:v47+s13+$0x0], $0xffff;
	v2 =	vadd.f32 v3, v2;
	v3 =	vmul.f32 v46, v45  }
0x141: {  	v56 =	vor.u32 $0x1E, v1;
	v55 =	vld.idx.msk [tilespmem:v47+s14+$0x0], $0xffff  }
0x142: {  	v57 =	vld.idx.msk [tilespmem:v50+s13+$0x0], $0xffff;
	v2 =	vadd.f32 v3, v2;
	v3 =	vmul.f32 v49, v48  }
0x143: {  	v1 =	vor.u32 $0x1F, v1;
	v58 =	vld.idx.msk [tilespmem:v50+s14+$0x0], $0xffff  }
0x144: {  	v59 =	vld.idx.msk [tilespmem:v53+s13+$0x0], $0xffff;
	v2 =	vadd.f32 v3, v2;
	v3 =	vmul.f32 v52, v51  }
0x145: {  	v60 =	vld.idx.msk [tilespmem:v53+s14+$0x0], $0xffff  }
0x146: {  	v62 =	vld.idx.msk [tilespmem:v56+s14+$0x0], $0xffff;
	v2 =	vadd.f32 v3, v2;
	v3 =	vmul.f32 v55, v54  }
0x147: {  	v61 =	vld.idx.msk [tilespmem:v56+s13+$0x0], $0xffff  }
0x148: {  	v63 =	vld.idx.msk [tilespmem:v1+s13+$0x0], $0xffff;
	v2 =	vadd.f32 v3, v2;
	v3 =	vmul.f32 v58, v57  }
0x149: {  	v1 =	vld.idx.msk [tilespmem:v1+s14+$0x0], $0xffff  }
0x14a: {  	v2 =	vadd.f32 v3, v2;
	v3 =	vmul.f32 v60, v59;
	_ =	sdelay $0x1  }
0x14b: {  	v2 =	vadd.f32 v3, v2;
	v3 =	vmul.f32 v62, v61;
	_ =	sdelay $0x1  }
0x14c: {  	v1 =	vmul.f32 v1, v63;
	v2 =	vadd.f32 v3, v2;
	_ =	sdelay $0x1  }
0x14d: {  	s17 =	sadd.s32 $0x1, s17;
	v1 =	vadd.f32 v1, v2  }
0x14e: {  	s31 =	sadd.s32 $0x10, s20;
	p0 =	sne.s32 s17, s10  }
.Ltmp1:
0x14f: {  	[tilespmem:s31+$0x0] =	vst v1;
	(pc) =	sbr.rel @p0 .LBB2_1-.Ltmp1, $4  }
0x150: {  	[hbm4b:s9+s2] =	stream.linear.scatter [tilespmem:s16], [sflag:$0x2], $0x200, $0x38;
	[tilespmem:$0x8A00] =	vst v63  }
0x151: {  	_ =	swait.ge [sflag:s11], $0x200  }
0x152: {  	[sflag:s11] =	ssyncset.done $0x0  }
0x153: {  	[sflag:s11] =	ssyncadd.s32 $0xFFFFFE00  }
0x154: {  	_ =	sfence.sel $0x180000  }
0x155: {  	[bflag:$0x0] =	sbarrier.arrive $0xFFFF  }
0x156: {  	p0 =	sne.s32 s3, $0x0;
	_ =	strace $0x90000047  }
0x157: {  	s0 =	sadd.s32 @!p0 $0x100000, s0;
	[bflag:$0x2] =	sbarrier.arrive $0xFFFF  }
0x158: {  	[sflag:s0] =	ssyncadd.tile.s32 @!p0 $0x1;
	_ =	shalt  }
.Lfunc_end2:
_tile_overlayer_lowered:
.L_overlay_start_2:
0x159: {  	(tag) =	ssettag $0x2  }
0x15a: {  	s0 =	rddreg [dreg:$0x0];
	s2 =	stileid.u32  }
0x15b: {  	s1 =	rddreg [dreg:$0x1];
	p0 =	sne.s32 s2, $0x0  }
0x15c: {  	s3 =	rddreg [dreg:$0x2];
	[bflag:$0x3] =	sbarrier.arrive $0xFFFF;
	s2 =	simm.s32 @!p0 $0x1C02  }
0x15d: {  	[timem:s3], [sflag:s2] =	dma.local @!p0 [hbm:s0], s1  }
0x15e: {  	s0 =	simm.s32 @!p0 $0x2  }
0x15f: {  	_ =	swait.ge @!p0 [sflag:s0], s1  }
0x160: {  	s1 =	ssub.s32 @!p0 $0x0, s1;
	[sflag:s0] =	ssyncset.done @!p0 $0x0  }
0x161: {  	[sflag:s0] =	ssyncadd.s32 @!p0 s1  }
0x162: {  	[bflag:$0x3] =	sbarrier.arrive $0xFFFF  }
0x163: {  	_ =	shalt  }

</sc_bundles>
